<compile_context>
chip_gen: v7x
topology: tpu7x:2x2x1
jax: 0.10.2.dev20260603
libtpu: 0.0.44.dev20260713+nightly
codegen_flags: <defaults>
</compile_context>

<pallas_src>
import functools

import jax
import jax.numpy as jnp
import numpy as np
from jax import lax
from jax.experimental import pallas as pl
from jax.experimental.pallas import tpu as pltpu
from jax.experimental.pallas import tpu_sc as plsc

jax.config.update("jax_enable_x64", True)


def _i0():
    return jnp.int32(0)

H = 8
TP = 2
N = 2 ** H
K = (2 * H) // 2
VOCAB = 512
BATCH = 128
D = 256
NCNC = 2 * H * K + 1
CPAD = 136
NB = VOCAB // BATCH


def _rng_constants():
    key = jax.random.key(42)
    perm = jax.random.permutation(jax.random.fold_in(key, 0), VOCAB)
    upper = (2 ** jnp.arange(H, dtype=jnp.int64)).reshape(-1, 1, 1, 1)
    flips = (2 ** jnp.arange(H, dtype=jnp.int64))
    perm_out = perm.reshape(NB, BATCH).astype(jnp.int32)
    g0s, g1s, ss = [], [], []
    for b in range(NB):
        kb = jax.random.fold_in(key, b + 1)
        km, kp = jax.random.split(kb)
        rnd = jax.random.randint(km, (H, BATCH, K, TP), 0, N, dtype=jnp.int64)
        masks = jnp.transpose(rnd % upper, (1, 0, 2, 3))
        g_res = (flips[None, :, None, None] ^ masks).reshape(BATCH, H * K, TP)
        g_full = jnp.concatenate(
            [g_res, jnp.zeros((BATCH, 1, TP), jnp.int64), g_res], axis=1)
        s_full = jnp.concatenate(
            [jnp.ones(H * K + 1, jnp.float32), -jnp.ones(H * K, jnp.float32)])
        pidx = jax.random.permutation(kp, NCNC)
        g_p = g_full[:, pidx, :].astype(jnp.int32)
        s_p = s_full[pidx]
        g_pad = jnp.concatenate(
            [g_p, jnp.zeros((BATCH, CPAD - NCNC, TP), jnp.int32)], axis=1)
        s_pad = jnp.concatenate(
            [s_p, jnp.ones((CPAD - NCNC,), jnp.float32)])
        g0s.append(g_pad[:, :, 0:1])
        g1s.append(g_pad[:, :, 1:2])
        ss.append(s_pad.reshape(CPAD, 1))
    return (perm_out, jnp.stack(g0s), jnp.stack(g1s), jnp.stack(ss))


NWORK = 32
RPW = VOCAB // NWORK
GRAN = 128


def _sc_gather_kernel(table_hbm, idx_hbm, out_hbm, idx_v, rows_v, sem):
    wid = lax.axis_index("s") * 2 + lax.axis_index("c")
    base = wid * RPW
    pltpu.sync_copy(idx_hbm.at[pl.ds(base, RPW)], idx_v)
    pltpu.async_copy(table_hbm.at[idx_v], rows_v, sem).wait()
    pltpu.sync_copy(rows_v, out_hbm.at[pl.ds(base, RPW)])


def _sc_scatter_kernel(rows_hbm, idx_hbm, out_hbm, idx_v, rows_v, sem):
    wid = lax.axis_index("s") * 2 + lax.axis_index("c")
    base = wid * RPW
    pltpu.sync_copy(idx_hbm.at[pl.ds(base, RPW)], idx_v)
    pltpu.sync_copy(rows_hbm.at[pl.ds(base, RPW)], rows_v)
    pltpu.async_copy(rows_v, out_hbm.at[idx_v], sem).wait()


def _sc_call(body, n_out_rows):
    return pl.kernel(
        body,
        mesh=plsc.VectorSubcoreMesh(core_axis_name="c", subcore_axis_name="s"),
        out_type=jax.ShapeDtypeStruct((n_out_rows, GRAN), jnp.int32),
        scratch_types=[
            pltpu.VMEM((RPW,), jnp.int32),
            pltpu.VMEM((RPW, GRAN), jnp.int32),
            pltpu.SemaphoreType.DMA,
        ],
    )


def _logits_kernel(a_ref, out_ref):
    out_ref[...] = jax.lax.dot_general(
        a_ref[...], a_ref[...], (((1,), (1,)), ((), ())),
        preferred_element_type=jnp.float32)


def _exp_field(x_i32):
    y = (x_i32 + 1).astype(jnp.float32)
    return jax.lax.shift_right_arithmetic(
        jax.lax.bitcast_convert_type(y, jnp.int32), jnp.int32(23))


def _main_kernel(perm_ref, sta_smem, g0_ref, g1_ref, s_ref, logits_ref,
                 loct_in_ref, loc_out_ref, tl_ref,
                 loct, ap, spv, pend_cov, pend_upd, acc_tl):
    g = pl.program_id(0)
    r = pl.program_id(1)

    @pl.when(jnp.logical_and(g == 0, r == 0))
    def _init():
        loct[...] = loct_in_ref[...].astype(jnp.float32)
        acc_tl[...] = jnp.zeros_like(acc_tl)

    @pl.when(r == 0)
    def _batch_start():
        ap[...] = jnp.abs(loct[...]).astype(jnp.int32)
        spv[...] = jnp.sign(loct[...]) * jnp.float32(1.0 / 16.0)
        pend_cov[...] = jnp.zeros_like(pend_cov)
        pend_upd[...] = jnp.zeros_like(pend_upd)

    sub_iota = jax.lax.broadcasted_iota(
        jnp.int32, (CPAD, 1), 0).astype(jnp.float32)
    lane_iota = jax.lax.broadcasted_iota(jnp.int32, (1, VOCAB), 1)
    s_col = s_ref[0]

    idx = perm_ref[g, r]
    l0 = sta_smem[g, r, 0]
    l1 = sta_smem[g, r, 1]
    logit_row = logits_ref[pl.ds(idx, 1), :]
    ori = (jnp.abs(l0), jnp.abs(l1))
    sgn = (jnp.sign(l0).astype(jnp.float32), jnp.sign(l1).astype(jnp.float32))
    g_rows = (jnp.reshape(g0_ref[0, 0], (CPAD, 1)),
              jnp.reshape(g1_ref[0, 0], (CPAD, 1)))
    lane_mask = (lane_iota == idx).astype(jnp.float32)
    pend_cov[...] += lane_mask
    for t in (0, 1):
        o = 1 - t
        ap_t = ap[pl.ds(t, 1), :]
        ap_o = ap[pl.ds(o, 1), :]
        spv_t = spv[pl.ds(t, 1), :]
        spv_o = spv[pl.ds(o, 1), :]
        e2 = _exp_field(ori[o] ^ ap_o)
        dsph = (134 - e2).astype(jnp.float32) * (spv_o * sgn[o])
        u = ori[t] ^ g_rows[t]
        gj = jnp.where(u == 0, jnp.float32(0.0), s_col)
        e = _exp_field(u ^ ap_t)
        dh = (134 - e).astype(jnp.float32) * (gj * spv_t)
        delt = (dh + dsph) - logit_row
        loss = jnp.sum(jnp.abs(delt), axis=1, keepdims=True)
        loss = jnp.where(sub_iota < NCNC, loss, jnp.float32(3.0e38))
        m = jnp.min(loss, axis=0, keepdims=True)
        jstar = jnp.min(jnp.where(loss == m, sub_iota, jnp.float32(1.0e9)),
                        axis=0, keepdims=True)
        candv = s_col * u.astype(jnp.float32)
        sel = jnp.sum(jnp.where(sub_iota == jstar, candv, jnp.float32(0.0)),
                      axis=0, keepdims=True)
        acc_tl[...] += m
        loc_out_ref[0, pl.ds(0, 1), pl.ds(t, 1)] = sel.astype(jnp.int32)
        pend_upd[pl.ds(t, 1), :] += lane_mask * sel

    @pl.when(r == BATCH - 1)
    def _batch_end():
        loct[...] = (loct[...] * (jnp.float32(1.0) - pend_cov[...])
                     + pend_upd[...])

    @pl.when(jnp.logical_and(g == NB - 1, r == BATCH - 1))
    def _fin():
        tl_ref[...] = acc_tl[...] * jnp.float32(1.0 / (VOCAB * BATCH * TP * NB))


def kernel(eu_emb, locations):
    eu32 = eu_emb.astype(jnp.float32)
    loc32 = locations.astype(jnp.int32)
    loct_in = loc32.T
    perm_c, g0_c, g1_c, s_c = _rng_constants()
    perm_flat = perm_c.reshape(VOCAB)

    loc_pad = jnp.pad(loc32, ((0, 0), (0, GRAN - TP)))
    sta_pad = _sc_call(_sc_gather_kernel, VOCAB)(loc_pad, perm_flat)
    sta_c = sta_pad[:, :TP].reshape(NB, BATCH, TP)

    logits = pl.pallas_call(
        _logits_kernel,
        out_shape=jax.ShapeDtypeStruct((VOCAB, VOCAB), jnp.float32),
    )(eu32)

    grid_spec = pltpu.PrefetchScalarGridSpec(
        num_scalar_prefetch=0,
        grid=(NB, BATCH),
        in_specs=[
            pl.BlockSpec((NB, BATCH), lambda g, r: (_i0(), _i0()),
                         memory_space=pltpu.SMEM),
            pl.BlockSpec((NB, BATCH, TP), lambda g, r: (_i0(), _i0(), _i0()),
                         memory_space=pltpu.SMEM),
            pl.BlockSpec((1, 1, CPAD, 1), lambda g, r: (g, r, _i0(), _i0())),
            pl.BlockSpec((1, 1, CPAD, 1), lambda g, r: (g, r, _i0(), _i0())),
            pl.BlockSpec((1, CPAD, 1), lambda g, r: (g, _i0(), _i0())),
            pl.BlockSpec((VOCAB, VOCAB), lambda g, r: (_i0(), _i0())),
            pl.BlockSpec((TP, VOCAB), lambda g, r: (_i0(), _i0())),
        ],
        out_specs=[
            pl.BlockSpec((1, 1, TP), lambda g, r: (g * BATCH + r, _i0(), _i0())),
            pl.BlockSpec((1, 1), lambda g, r: (_i0(), _i0())),
        ],
        scratch_shapes=[
            pltpu.VMEM((TP, VOCAB), jnp.float32),
            pltpu.VMEM((TP, VOCAB), jnp.int32),
            pltpu.VMEM((TP, VOCAB), jnp.float32),
            pltpu.VMEM((1, VOCAB), jnp.float32),
            pltpu.VMEM((TP, VOCAB), jnp.float32),
            pltpu.VMEM((1, 1), jnp.float32),
        ],
    )

    sel_seq, tl = pl.pallas_call(
        _main_kernel,
        grid_spec=grid_spec,
        out_shape=[
            jax.ShapeDtypeStruct((NB * BATCH, 1, TP), jnp.int32),
            jax.ShapeDtypeStruct((1, 1), jnp.float32),
        ],
    )(perm_c, sta_c, g0_c, g1_c, s_c, logits, loct_in)

    sel_pad = jnp.pad(sel_seq.reshape(VOCAB, TP), ((0, 0), (0, GRAN - TP)))
    out_pad = _sc_call(_sc_scatter_kernel, VOCAB)(sel_pad, perm_flat)
    loc_out = out_pad[:, :TP]

    return loc_out.astype(locations.dtype), tl.reshape(()).astype(jnp.float32)

# --- scband reference (transcript-rebuilt; emitter-appended) ---
"""Pipeline reference for scband-criti-graph-35579509080217 (READ-ONLY COPY).

The authoritative reference and input builder live on the scoring server;
editing this copy changes nothing except your own understanding.
"""

import jax, jax.numpy as jnp
import numpy as np
jax.config.update("jax_enable_x64", True)

H = 8
TP = 2
CC = 2
N = 2 ** H
K = (CC * H) // 2
VOCAB = 512
BATCH = 128
D = 256


def _distance_table():
    xr = jnp.arange(N, dtype=jnp.float32)
    return (jnp.floor(jnp.log2(xr + 1.0)) + 1.0) / H


def _distance(table, c1, c2):
    sg = jnp.sign(c1) * jnp.sign(c2)
    xr = jnp.bitwise_xor(jnp.abs(c1), jnp.abs(c2))
    s = table[xr]
    return sg.astype(jnp.float32) * (1.0 - s)


def setup_inputs(seed: int = 0) -> dict:
    key = jax.random.key(seed)
    k1, k2 = jax.random.split(key)
    eu_emb = jax.random.normal(k1, (VOCAB, D), dtype=jnp.float32)
    locations = jax.random.randint(k2, (VOCAB, TP), 1 - N, N, dtype=jnp.int64)
    return {"eu_emb": eu_emb, "locations": locations}


def reference(eu_emb, locations):
    table = _distance_table()
    flip_masks = (2 ** jnp.arange(H, dtype=jnp.int64))[None, :, None]
    logits = eu_emb @ eu_emb.T
    key = jax.random.key(42)
    perm = jax.random.permutation(jax.random.fold_in(key, 0), VOCAB)
    n_batches = VOCAB // BATCH
    # convergence = -1 => epoch 0 > convergence*epoch, so full-neighbor branch:
    # every code's neighbor list is all VOCAB codes, degree = VOCAB, mask all True
    neighbor = jnp.broadcast_to(jnp.arange(VOCAB, dtype=jnp.int64)[None, :], (BATCH, VOCAB))
    mask = neighbor != -1
    lg = jnp.full((BATCH,), VOCAB, dtype=jnp.float32)
    upper = (2 ** jnp.arange(H, dtype=jnp.int64)).reshape(-1, 1, 1, 1)
    tl_sum = jnp.float32(0.0)
    for b in range(n_batches):
        sta_ind = perm[b * BATCH:(b + 1) * BATCH]
        kb = jax.random.fold_in(key, b + 1)
        km, kp = jax.random.split(kb)
        sta_loc = locations[sta_ind]
        pos_loc = jnp.broadcast_to(locations[None, :, :], (BATCH, VOCAB, TP))
        # connection(abs(sta_loc))
        ori = jnp.abs(sta_loc)
        flipped = jnp.bitwise_xor(ori[:, None, :], flip_masks)  # (bs, H, TP)
        rnd = jax.random.randint(km, (H, BATCH, K, TP), 0, N, dtype=jnp.int64)
        masks = jnp.transpose(rnd % upper, (1, 0, 2, 3))  # (bs, H, K, TP)
        result = jnp.bitwise_xor(flipped[:, :, None, :], masks).reshape(BATCH, H * K, TP)
        cnc_loc = jnp.concatenate([result, ori[:, None, :], -result], axis=1)
        ncnc = cnc_loc.shape[1]
        pidx = jax.random.permutation(kp, ncnc)
        cnc_loc = cnc_loc[:, pidx, :]
        mask0 = jnp.broadcast_to(mask[:, :, None, None], (BATCH, VOCAB, ncnc, TP)).astype(jnp.float32)
        dis_sta_pos = _distance(table, sta_loc[:, None, :], pos_loc)  # (bs, V, TP)
        dis_sta_posum = dis_sta_pos.sum(axis=-1)  # (bs, V)
        dis_pos_cnc = _distance(table, cnc_loc[:, None, :, :], pos_loc[:, :, None, :])  # (bs, V, ncnc, TP)
        dis_new_pos = (dis_pos_cnc - dis_sta_pos[:, :, None, :] + dis_sta_posum[:, :, None, None]) / TP
        logits_ct = dis_new_pos * mask0
        logits_eu = logits[sta_ind][:, :, None, None] * mask0
        delt = logits_ct - logits_eu
        total_loss = jnp.abs(delt).sum(axis=1) / lg[:, None, None]  # (bs, ncnc, TP)
        index = jnp.argmin(total_loss, axis=1)  # (bs, TP)
        sel = jnp.take_along_axis(cnc_loc, index[:, None, :], axis=1)[:, 0, :]  # (bs, TP)
        locations = locations.at[sta_ind].set(sel)
        tl = jnp.mean(jnp.take_along_axis(total_loss, index[:, None, :], axis=1))
        tl_sum = tl_sum + tl
    return locations, tl_sum / n_batches

if __name__ == "__main__":
    import jax
    _d = setup_inputs()
    print(jax.jit(kernel)(*tuple(_d.values())))

</pallas_src>

<mosaic_0001>
#map = affine_map<(d0, d1) -> (0, 0)>
#map1 = affine_map<(d0, d1) -> (0)>
module attributes {stable_mosaic.version = 14 : i64} {
  func.func @_sc_gather_kernel(%arg0: i32, %arg1: i32, %arg2: memref<512x128xi32, #tpu.memory_space<hbm>>, %arg3: memref<512xi32, #tpu.memory_space<hbm>>, %arg4: memref<512x128xi32, #tpu.memory_space<hbm>>, %arg5: memref<16xi32, #tpu.memory_space<vmem>>, %arg6: memref<16x128xi32, #tpu.memory_space<vmem>>, %arg7: memref<!tpu.dma_semaphore, #tpu.memory_space<semaphore_mem>>) attributes {dimension_semantics = [#tpu.dimension_semantics<core_parallel>, #tpu.dimension_semantics<subcore_parallel>], iteration_bounds = array<i64: 2, 16>, scalar_prefetch = 0 : i64, scratch_operands = 3 : i64, tpu.core_type = #tpu.core_type<sc_vector_subcore>, window_params = [{transform_indices = #map}, {transform_indices = #map1}, {transform_indices = #map}]} {
    %mul3A = arith.constant 2 : i32
    %mul3A_0 = arith.muli %arg1, %mul3A : i32
    %add3A = arith.addi %mul3A_0, %arg0 : i32
    %mul3A_1 = arith.constant 16 : i32
    %mul3A_2 = arith.muli %add3A, %mul3A_1 : i32
    "tpu.region"() ({
      %run_scoped3A = tpu.sem_alloc : memref<!tpu.dma_semaphore, #tpu.memory_space<semaphore_mem>>
      %dma_start3A_7 = tpu.memref_slice %arg3[%mul3A_2] : memref<512xi32, #tpu.memory_space<hbm>> -> memref<16xi32, #tpu.memory_space<hbm>>
      %dma_start3A_8 = tpu.memref_slice %arg3[%mul3A_2] : memref<512xi32, #tpu.memory_space<hbm>> -> memref<16xi32, #tpu.memory_space<hbm>>
      tpu.enqueue_dma source(%dma_start3A_8 : memref<16xi32, #tpu.memory_space<hbm>>) target(%arg5 : memref<16xi32, #tpu.memory_space<vmem>>) target_semaphore(%run_scoped3A : memref<!tpu.dma_semaphore, #tpu.memory_space<semaphore_mem>>)
      %dma_wait3A_9 = tpu.memref_slice %arg3[%mul3A_2] : memref<512xi32, #tpu.memory_space<hbm>> -> memref<16xi32, #tpu.memory_space<hbm>>
      %dma_wait3A_10 = tpu.memref_slice %arg3[%mul3A_2] : memref<512xi32, #tpu.memory_space<hbm>> -> memref<16xi32, #tpu.memory_space<hbm>>
      tpu.wait_dma2 semaphore(%run_scoped3A : memref<!tpu.dma_semaphore, #tpu.memory_space<semaphore_mem>>) src(%dma_wait3A_10 : memref<16xi32, #tpu.memory_space<hbm>>) dst(%arg5 : memref<16xi32, #tpu.memory_space<vmem>>)
      tpu.yield
    }) : () -> ()
    %dma_start3A = arith.constant 0 : i32
    %dma_start3A_3 = arith.constant 0 : i32
    %dma_start3A_4 = tpu.memref_slice %arg2[%dma_start3A, %dma_start3A_3] : memref<512x128xi32, #tpu.memory_space<hbm>> -> memref<512x128xi32, #tpu.memory_space<hbm>>
    tpu.enqueue_indirect_dma source(%dma_start3A_4 : memref<512x128xi32, #tpu.memory_space<hbm>>) target(%arg6 : memref<16x128xi32, #tpu.memory_space<vmem>>) offsets(%arg5 : memref<16xi32, #tpu.memory_space<vmem>>) semaphore(%arg7 : memref<!tpu.dma_semaphore, #tpu.memory_space<semaphore_mem>>)
    %dma_wait3A = arith.constant 0 : i32
    %dma_wait3A_5 = arith.constant 0 : i32
    %dma_wait3A_6 = tpu.memref_slice %arg2[%dma_wait3A, %dma_wait3A_5] : memref<512x128xi32, #tpu.memory_space<hbm>> -> memref<512x128xi32, #tpu.memory_space<hbm>>
    tpu.wait_indirect_dma semaphore(%arg7 : memref<!tpu.dma_semaphore, #tpu.memory_space<semaphore_mem>>) src(%dma_wait3A_6 : memref<512x128xi32, #tpu.memory_space<hbm>>) dst(%arg6 : memref<16x128xi32, #tpu.memory_space<vmem>>)
    "tpu.region"() ({
      %run_scoped3A = tpu.sem_alloc : memref<!tpu.dma_semaphore, #tpu.memory_space<semaphore_mem>>
      %dma_start3A_7 = arith.constant 0 : i32
      %dma_start3A_8 = tpu.memref_slice %arg4[%mul3A_2, %dma_start3A_7] : memref<512x128xi32, #tpu.memory_space<hbm>> -> memref<16x128xi32, #tpu.memory_space<hbm>>
      %dma_start3A_9 = arith.constant 0 : i32
      %dma_start3A_10 = tpu.memref_slice %arg4[%mul3A_2, %dma_start3A_9] : memref<512x128xi32, #tpu.memory_space<hbm>> -> memref<16x128xi32, #tpu.memory_space<hbm>>
      tpu.enqueue_dma source(%arg6 : memref<16x128xi32, #tpu.memory_space<vmem>>) target(%dma_start3A_10 : memref<16x128xi32, #tpu.memory_space<hbm>>) target_semaphore(%run_scoped3A : memref<!tpu.dma_semaphore, #tpu.memory_space<semaphore_mem>>)
      %dma_wait3A_11 = arith.constant 0 : i32
      %dma_wait3A_12 = tpu.memref_slice %arg4[%mul3A_2, %dma_wait3A_11] : memref<512x128xi32, #tpu.memory_space<hbm>> -> memref<16x128xi32, #tpu.memory_space<hbm>>
      %dma_wait3A_13 = arith.constant 0 : i32
      %dma_wait3A_14 = tpu.memref_slice %arg4[%mul3A_2, %dma_wait3A_13] : memref<512x128xi32, #tpu.memory_space<hbm>> -> memref<16x128xi32, #tpu.memory_space<hbm>>
      tpu.wait_dma2 semaphore(%run_scoped3A : memref<!tpu.dma_semaphore, #tpu.memory_space<semaphore_mem>>) src(%arg6 : memref<16x128xi32, #tpu.memory_space<vmem>>) dst(%dma_wait3A_14 : memref<16x128xi32, #tpu.memory_space<hbm>>)
      tpu.yield
    }) : () -> ()
    return
  }
}

#map = affine_map<(d0, d1) -> (0, 0)>
#map1 = affine_map<(d0, d1) -> (0)>
module attributes {stable_mosaic.version = 14 : i64} {
  func.func @_sc_scatter_kernel(%arg0: i32, %arg1: i32, %arg2: memref<512x128xi32, #tpu.memory_space<hbm>>, %arg3: memref<512xi32, #tpu.memory_space<hbm>>, %arg4: memref<512x128xi32, #tpu.memory_space<hbm>>, %arg5: memref<16xi32, #tpu.memory_space<vmem>>, %arg6: memref<16x128xi32, #tpu.memory_space<vmem>>, %arg7: memref<!tpu.dma_semaphore, #tpu.memory_space<semaphore_mem>>) attributes {dimension_semantics = [#tpu.dimension_semantics<core_parallel>, #tpu.dimension_semantics<subcore_parallel>], iteration_bounds = array<i64: 2, 16>, scalar_prefetch = 0 : i64, scratch_operands = 3 : i64, tpu.core_type = #tpu.core_type<sc_vector_subcore>, window_params = [{transform_indices = #map}, {transform_indices = #map1}, {transform_indices = #map}]} {
    %mul3A = arith.constant 2 : i32
    %mul3A_0 = arith.muli %arg1, %mul3A : i32
    %add3A = arith.addi %mul3A_0, %arg0 : i32
    %mul3A_1 = arith.constant 16 : i32
    %mul3A_2 = arith.muli %add3A, %mul3A_1 : i32
    "tpu.region"() ({
      %run_scoped3A = tpu.sem_alloc : memref<!tpu.dma_semaphore, #tpu.memory_space<semaphore_mem>>
      %dma_start3A_7 = tpu.memref_slice %arg3[%mul3A_2] : memref<512xi32, #tpu.memory_space<hbm>> -> memref<16xi32, #tpu.memory_space<hbm>>
      %dma_start3A_8 = tpu.memref_slice %arg3[%mul3A_2] : memref<512xi32, #tpu.memory_space<hbm>> -> memref<16xi32, #tpu.memory_space<hbm>>
      tpu.enqueue_dma source(%dma_start3A_8 : memref<16xi32, #tpu.memory_space<hbm>>) target(%arg5 : memref<16xi32, #tpu.memory_space<vmem>>) target_semaphore(%run_scoped3A : memref<!tpu.dma_semaphore, #tpu.memory_space<semaphore_mem>>)
      %dma_wait3A_9 = tpu.memref_slice %arg3[%mul3A_2] : memref<512xi32, #tpu.memory_space<hbm>> -> memref<16xi32, #tpu.memory_space<hbm>>
      %dma_wait3A_10 = tpu.memref_slice %arg3[%mul3A_2] : memref<512xi32, #tpu.memory_space<hbm>> -> memref<16xi32, #tpu.memory_space<hbm>>
      tpu.wait_dma2 semaphore(%run_scoped3A : memref<!tpu.dma_semaphore, #tpu.memory_space<semaphore_mem>>) src(%dma_wait3A_10 : memref<16xi32, #tpu.memory_space<hbm>>) dst(%arg5 : memref<16xi32, #tpu.memory_space<vmem>>)
      tpu.yield
    }) : () -> ()
    "tpu.region"() ({
      %run_scoped3A = tpu.sem_alloc : memref<!tpu.dma_semaphore, #tpu.memory_space<semaphore_mem>>
      %dma_start3A_7 = arith.constant 0 : i32
      %dma_start3A_8 = tpu.memref_slice %arg2[%mul3A_2, %dma_start3A_7] : memref<512x128xi32, #tpu.memory_space<hbm>> -> memref<16x128xi32, #tpu.memory_space<hbm>>
      %dma_start3A_9 = arith.constant 0 : i32
      %dma_start3A_10 = tpu.memref_slice %arg2[%mul3A_2, %dma_start3A_9] : memref<512x128xi32, #tpu.memory_space<hbm>> -> memref<16x128xi32, #tpu.memory_space<hbm>>
      tpu.enqueue_dma source(%dma_start3A_10 : memref<16x128xi32, #tpu.memory_space<hbm>>) target(%arg6 : memref<16x128xi32, #tpu.memory_space<vmem>>) target_semaphore(%run_scoped3A : memref<!tpu.dma_semaphore, #tpu.memory_space<semaphore_mem>>)
      %dma_wait3A_11 = arith.constant 0 : i32
      %dma_wait3A_12 = tpu.memref_slice %arg2[%mul3A_2, %dma_wait3A_11] : memref<512x128xi32, #tpu.memory_space<hbm>> -> memref<16x128xi32, #tpu.memory_space<hbm>>
      %dma_wait3A_13 = arith.constant 0 : i32
      %dma_wait3A_14 = tpu.memref_slice %arg2[%mul3A_2, %dma_wait3A_13] : memref<512x128xi32, #tpu.memory_space<hbm>> -> memref<16x128xi32, #tpu.memory_space<hbm>>
      tpu.wait_dma2 semaphore(%run_scoped3A : memref<!tpu.dma_semaphore, #tpu.memory_space<semaphore_mem>>) src(%dma_wait3A_14 : memref<16x128xi32, #tpu.memory_space<hbm>>) dst(%arg6 : memref<16x128xi32, #tpu.memory_space<vmem>>)
      tpu.yield
    }) : () -> ()
    %dma_start3A = arith.constant 0 : i32
    %dma_start3A_3 = arith.constant 0 : i32
    %dma_start3A_4 = tpu.memref_slice %arg4[%dma_start3A, %dma_start3A_3] : memref<512x128xi32, #tpu.memory_space<hbm>> -> memref<512x128xi32, #tpu.memory_space<hbm>>
    tpu.enqueue_indirect_dma source(%arg6 : memref<16x128xi32, #tpu.memory_space<vmem>>) target(%dma_start3A_4 : memref<512x128xi32, #tpu.memory_space<hbm>>) offsets(%arg5 : memref<16xi32, #tpu.memory_space<vmem>>) semaphore(%arg7 : memref<!tpu.dma_semaphore, #tpu.memory_space<semaphore_mem>>)
    %dma_wait3A = arith.constant 0 : i32
    %dma_wait3A_5 = arith.constant 0 : i32
    %dma_wait3A_6 = tpu.memref_slice %arg4[%dma_wait3A, %dma_wait3A_5] : memref<512x128xi32, #tpu.memory_space<hbm>> -> memref<512x128xi32, #tpu.memory_space<hbm>>
    tpu.wait_indirect_dma semaphore(%arg7 : memref<!tpu.dma_semaphore, #tpu.memory_space<semaphore_mem>>) src(%arg6 : memref<16x128xi32, #tpu.memory_space<vmem>>) dst(%dma_wait3A_6 : memref<512x128xi32, #tpu.memory_space<hbm>>)
    return
  }
}

module attributes {stable_mosaic.version = 14 : i64} {
  func.func @_logits_kernel(%arg0: memref<512x256xf32, #tpu.memory_space<vmem>>, %arg1: memref<512x512xf32, #tpu.memory_space<vmem>>) attributes {dimension_semantics = [], scalar_prefetch = 0 : i64, scratch_operands = 0 : i64, tpu.core_type = #tpu.core_type<tc>} {
    %get3A = arith.constant 0 : index
    %get3A_0 = arith.constant 0 : index
    %get3A_1 = vector.load %arg0[%get3A, %get3A_0] : memref<512x256xf32, #tpu.memory_space<vmem>>, vector<512x256xf32>
    %get3A_2 = arith.constant 0 : index
    %get3A_3 = arith.constant 0 : index
    %get3A_4 = vector.load %arg0[%get3A_2, %get3A_3] : memref<512x256xf32, #tpu.memory_space<vmem>>, vector<512x256xf32>
    %dot_general3A = arith.constant dense<0.000000e+00> : vector<512x512xf32>
    %dot_general3A_5 = tpu.matmul %get3A_1, %get3A_4, %dot_general3A {dimension_numbers = #tpu.dot_dimension_numbers<[1], [1], [0], [0], [0, 0, 1, 0], [], []>, transpose_lhs_hint = false} : vector<512x256xf32>, vector<512x256xf32>, vector<512x512xf32> -> vector<512x512xf32>
    %swap3A = arith.constant 0 : index
    %swap3A_6 = arith.constant 0 : index
    %swap3A_7 = vector.load %arg1[%swap3A, %swap3A_6] : memref<512x512xf32, #tpu.memory_space<vmem>>, vector<512x512xf32>
    tpu.vector_store %arg1[%swap3A, %swap3A_6], %dot_general3A_5 {strides = array<i32>} : memref<512x512xf32, #tpu.memory_space<vmem>>, vector<512x512xf32>,
    return
  }
}

module attributes {stable_mosaic.version = 14 : i64} {
  func.func @_main_kernel(%arg0: i32, %arg1: i32, %arg2: memref<4x128xi32, #tpu.memory_space<smem>>, %arg3: memref<4x128x2xi32, #tpu.memory_space<smem>>, %arg4: memref<1x1x136x1xi32, #tpu.memory_space<vmem>>, %arg5: memref<1x1x136x1xi32, #tpu.memory_space<vmem>>, %arg6: memref<1x136x1xf32, #tpu.memory_space<vmem>>, %arg7: memref<512x512xf32, #tpu.memory_space<vmem>>, %arg8: memref<2x512xi32, #tpu.memory_space<vmem>>, %arg9: memref<1x1x2xi32, #tpu.memory_space<vmem>>, %arg10: memref<1x1xf32, #tpu.memory_space<vmem>>, %arg11: memref<2x512xf32, #tpu.memory_space<vmem>>, %arg12: memref<2x512xi32, #tpu.memory_space<vmem>>, %arg13: memref<2x512xf32, #tpu.memory_space<vmem>>, %arg14: memref<1x512xf32, #tpu.memory_space<vmem>>, %arg15: memref<2x512xf32, #tpu.memory_space<vmem>>, %arg16: memref<1x1xf32, #tpu.memory_space<vmem>>) attributes {dimension_semantics = [#tpu.dimension_semantics<arbitrary>, #tpu.dimension_semantics<arbitrary>], iteration_bounds = array<i64: 4, 128>, scalar_prefetch = 0 : i64, scratch_operands = 6 : i64, tpu.core_type = #tpu.core_type<tc>, window_params = [{transform_indices = @transform_0, window_bounds = array<i64: 4, 128>}, {transform_indices = @transform_1, window_bounds = array<i64: 4, 128, 2>}, {transform_indices = @transform_2, window_bounds = array<i64: 1, 1, 136, 1>}, {transform_indices = @transform_3, window_bounds = array<i64: 1, 1, 136, 1>}, {transform_indices = @transform_4, window_bounds = array<i64: 1, 136, 1>}, {pipeline_mode = #tpu.pipeline_mode<synchronous>, transform_indices = @transform_5, window_bounds = array<i64: 512, 512>}, {pipeline_mode = #tpu.pipeline_mode<synchronous>, transform_indices = @transform_6, window_bounds = array<i64: 2, 512>}, {transform_indices = @transform_7, window_bounds = array<i64: 1, 1, 2>}, {pipeline_mode = #tpu.pipeline_mode<synchronous>, transform_indices = @transform_8, window_bounds = array<i64: 1, 1>}]} {
    %eq3A = arith.constant 0 : i32
    %eq3A_0 = arith.cmpi eq, %arg0, %eq3A : i32
    %eq3A_1 = arith.constant 0 : i32
    %eq3A_2 = arith.cmpi eq, %arg1, %eq3A_1 : i32
    %and3A = arith.andi %eq3A_0, %eq3A_2 : i1
    %convert_element_type3A = arith.extui %and3A : i1 to i32
    %cond3A = arith.constant 0 : i32
    %cond3A_3 = arith.cmpi ne, %convert_element_type3A, %cond3A : i32
    scf.if %cond3A_3 {
      %get3A_296 = arith.constant 0 : index
      %get3A_297 = arith.constant 0 : index
      %get3A_298 = vector.load %arg8[%get3A_296, %get3A_297] : memref<2x512xi32, #tpu.memory_space<vmem>>, vector<2x512xi32>
      %convert_element_type3A_299 = arith.sitofp %get3A_298 : vector<2x512xi32> to vector<2x512xf32>
      %swap3A_300 = arith.constant 0 : index
      %swap3A_301 = arith.constant 0 : index
      %swap3A_302 = vector.load %arg11[%swap3A_300, %swap3A_301] : memref<2x512xf32, #tpu.memory_space<vmem>>, vector<2x512xf32>
      tpu.vector_store %arg11[%swap3A_300, %swap3A_301], %convert_element_type3A_299 {strides = array<i32>} : memref<2x512xf32, #tpu.memory_space<vmem>>, vector<2x512xf32>,
      %broadcast_in_dim3A_303 = arith.constant 0.000000e+00 : f32
      %broadcast_in_dim3A_304 = vector.broadcast %broadcast_in_dim3A_303 : f32 to vector<1x1xf32>
      %swap3A_305 = arith.constant 0 : index
      %swap3A_306 = arith.constant 0 : index
      %swap3A_307 = vector.load %arg16[%swap3A_305, %swap3A_306] : memref<1x1xf32, #tpu.memory_space<vmem>>, vector<1x1xf32>
      tpu.vector_store %arg16[%swap3A_305, %swap3A_306], %broadcast_in_dim3A_304 {strides = array<i32>} : memref<1x1xf32, #tpu.memory_space<vmem>>, vector<1x1xf32>,
    } else {
    }
    %eq3A_4 = arith.constant 0 : i32
    %eq3A_5 = arith.cmpi eq, %arg1, %eq3A_4 : i32
    %convert_element_type3A_6 = arith.extui %eq3A_5 : i1 to i32
    %cond3A_7 = arith.constant 0 : i32
    %cond3A_8 = arith.cmpi ne, %convert_element_type3A_6, %cond3A_7 : i32
    scf.if %cond3A_8 {
      %get3A_296 = arith.constant 0 : index
      %get3A_297 = arith.constant 0 : index
      %get3A_298 = vector.load %arg11[%get3A_296, %get3A_297] : memref<2x512xf32, #tpu.memory_space<vmem>>, vector<2x512xf32>
      %abs3A_299 = math.absf %get3A_298 : vector<2x512xf32>
      %convert_element_type3A_300 = arith.fptosi %abs3A_299 : vector<2x512xf32> to vector<2x512xi32>
      %swap3A_301 = arith.constant 0 : index
      %swap3A_302 = arith.constant 0 : index
      %swap3A_303 = vector.load %arg12[%swap3A_301, %swap3A_302] : memref<2x512xi32, #tpu.memory_space<vmem>>, vector<2x512xi32>
      tpu.vector_store %arg12[%swap3A_301, %swap3A_302], %convert_element_type3A_300 {strides = array<i32>} : memref<2x512xi32, #tpu.memory_space<vmem>>, vector<2x512xi32>,
      %get3A_304 = arith.constant 0 : index
      %get3A_305 = arith.constant 0 : index
      %get3A_306 = vector.load %arg11[%get3A_304, %get3A_305] : memref<2x512xf32, #tpu.memory_space<vmem>>, vector<2x512xf32>
      %sign3A_307 = tpu.bitcast %get3A_306 : vector<2x512xf32> -> vector<2x512xi32>
      %sign3A_308 = arith.constant -2147483648 : i32
      %sign3A_309 = vector.broadcast %sign3A_308 : i32 to vector<2x512xi32>
      %sign3A_310 = arith.andi %sign3A_307, %sign3A_309 : vector<2x512xi32>
      %sign3A_311 = arith.constant 1065353216 : i32
      %sign3A_312 = vector.broadcast %sign3A_311 : i32 to vector<2x512xi32>
      %sign3A_313 = arith.ori %sign3A_312, %sign3A_310 : vector<2x512xi32>
      %sign3A_314 = tpu.bitcast %sign3A_313 : vector<2x512xi32> -> vector<2x512xf32>
      %sign3A_315 = math.absf %get3A_306 : vector<2x512xf32>
      %sign3A_316 = arith.constant 0.000000e+00 : f32
      %sign3A_317 = vector.broadcast %sign3A_316 : f32 to vector<2x512xf32>
      %sign3A_318 = arith.cmpf ogt, %sign3A_315, %sign3A_317 : vector<2x512xf32>
      %sign3A_319 = arith.select %sign3A_318, %sign3A_314, %get3A_306 : vector<2x512xi1>, vector<2x512xf32>
      %mul3A_320 = arith.constant 6.250000e-02 : f32
      %mul3A_321 = vector.broadcast %mul3A_320 : f32 to vector<2x512xf32>
      %mul3A_322 = arith.mulf %sign3A_319, %mul3A_321 : vector<2x512xf32>
      %swap3A_323 = arith.constant 0 : index
      %swap3A_324 = arith.constant 0 : index
      %swap3A_325 = vector.load %arg13[%swap3A_323, %swap3A_324] : memref<2x512xf32, #tpu.memory_space<vmem>>, vector<2x512xf32>
      tpu.vector_store %arg13[%swap3A_323, %swap3A_324], %mul3A_322 {strides = array<i32>} : memref<2x512xf32, #tpu.memory_space<vmem>>, vector<2x512xf32>,
      %broadcast_in_dim3A_326 = arith.constant 0.000000e+00 : f32
      %broadcast_in_dim3A_327 = vector.broadcast %broadcast_in_dim3A_326 : f32 to vector<1x512xf32>
      %swap3A_328 = arith.constant 0 : index
      %swap3A_329 = arith.constant 0 : index
      %swap3A_330 = vector.load %arg14[%swap3A_328, %swap3A_329] : memref<1x512xf32, #tpu.memory_space<vmem>>, vector<1x512xf32>
      tpu.vector_store %arg14[%swap3A_328, %swap3A_329], %broadcast_in_dim3A_327 {strides = array<i32>} : memref<1x512xf32, #tpu.memory_space<vmem>>, vector<1x512xf32>,
      %broadcast_in_dim3A_331 = arith.constant 0.000000e+00 : f32
      %broadcast_in_dim3A_332 = vector.broadcast %broadcast_in_dim3A_331 : f32 to vector<2x512xf32>
      %swap3A_333 = arith.constant 0 : index
      %swap3A_334 = arith.constant 0 : index
      %swap3A_335 = vector.load %arg15[%swap3A_333, %swap3A_334] : memref<2x512xf32, #tpu.memory_space<vmem>>, vector<2x512xf32>
      tpu.vector_store %arg15[%swap3A_333, %swap3A_334], %broadcast_in_dim3A_332 {strides = array<i32>} : memref<2x512xf32, #tpu.memory_space<vmem>>, vector<2x512xf32>,
    } else {
    }
    %iota3A = tpu.iota {dimensions = array<i32: 0>} : vector<136x1xi32>
    %convert_element_type3A_9 = arith.sitofp %iota3A : vector<136x1xi32> to vector<136x1xf32>
    %iota3A_10 = tpu.iota {dimensions = array<i32: 1>} : vector<1x512xi32>
    %get3A = arith.constant 0 : index
    %get3A_11 = arith.constant 0 : index
    %get3A_12 = arith.constant 0 : index
    %get3A_13 = vector.load %arg6[%get3A, %get3A_11, %get3A_12] : memref<1x136x1xf32, #tpu.memory_space<vmem>>, vector<1x136x1xf32>
    %get3A_14 = vector.shape_cast %get3A_13 : vector<1x136x1xf32> to vector<136x1xf32>
    %get3A_15 = arith.index_cast %arg0 : i32 to index
    %get3A_16 = arith.index_cast %arg1 : i32 to index
    %get3A_17 = memref.load %arg2[%get3A_15, %get3A_16] : memref<4x128xi32, #tpu.memory_space<smem>>
    %get3A_18 = arith.index_cast %arg0 : i32 to index
    %get3A_19 = arith.index_cast %arg1 : i32 to index
    %get3A_20 = arith.constant 0 : index
    %get3A_21 = memref.load %arg3[%get3A_18, %get3A_19, %get3A_20] : memref<4x128x2xi32, #tpu.memory_space<smem>>
    %get3A_22 = arith.index_cast %arg0 : i32 to index
    %get3A_23 = arith.index_cast %arg1 : i32 to index
    %get3A_24 = arith.constant 1 : index
    %get3A_25 = memref.load %arg3[%get3A_22, %get3A_23, %get3A_24] : memref<4x128x2xi32, #tpu.memory_space<smem>>
    %get3A_26 = arith.index_cast %get3A_17 : i32 to index
    %get3A_27 = arith.constant 0 : index
    %get3A_28 = vector.load %arg7[%get3A_26, %get3A_27] : memref<512x512xf32, #tpu.memory_space<vmem>>, vector<1x512xf32>
    %abs3A = math.absi %get3A_21 : i32
    %abs3A_29 = math.absi %get3A_25 : i32
    %sign3A = arith.constant 0 : i32
    %sign3A_30 = arith.cmpi sgt, %get3A_21, %sign3A : i32
    %sign3A_31 = arith.extui %sign3A_30 : i1 to i32
    %sign3A_32 = arith.constant 0 : i32
    %sign3A_33 = arith.cmpi slt, %get3A_21, %sign3A_32 : i32
    %sign3A_34 = arith.extui %sign3A_33 : i1 to i32
    %sign3A_35 = arith.subi %sign3A_31, %sign3A_34 : i32
    %convert_element_type3A_36 = arith.sitofp %sign3A_35 : i32 to f32
    %sign3A_37 = arith.constant 0 : i32
    %sign3A_38 = arith.cmpi sgt, %get3A_25, %sign3A_37 : i32
    %sign3A_39 = arith.extui %sign3A_38 : i1 to i32
    %sign3A_40 = arith.constant 0 : i32
    %sign3A_41 = arith.cmpi slt, %get3A_25, %sign3A_40 : i32
    %sign3A_42 = arith.extui %sign3A_41 : i1 to i32
    %sign3A_43 = arith.subi %sign3A_39, %sign3A_42 : i32
    %convert_element_type3A_44 = arith.sitofp %sign3A_43 : i32 to f32
    %get3A_45 = arith.constant 0 : index
    %get3A_46 = arith.constant 0 : index
    %get3A_47 = arith.constant 0 : index
    %get3A_48 = arith.constant 0 : index
    %get3A_49 = vector.load %arg4[%get3A_45, %get3A_46, %get3A_47, %get3A_48] : memref<1x1x136x1xi32, #tpu.memory_space<vmem>>, vector<1x1x136x1xi32>
    %get3A_50 = vector.shape_cast %get3A_49 : vector<1x1x136x1xi32> to vector<136x1xi32>
    %get3A_51 = arith.constant 0 : index
    %get3A_52 = arith.constant 0 : index
    %get3A_53 = arith.constant 0 : index
    %get3A_54 = arith.constant 0 : index
    %get3A_55 = vector.load %arg5[%get3A_51, %get3A_52, %get3A_53, %get3A_54] : memref<1x1x136x1xi32, #tpu.memory_space<vmem>>, vector<1x1x136x1xi32>
    %get3A_56 = vector.shape_cast %get3A_55 : vector<1x1x136x1xi32> to vector<136x1xi32>
    %eq3A_57 = vector.broadcast %get3A_17 : i32 to vector<1x512xi32>
    %eq3A_58 = arith.cmpi eq, %iota3A_10, %eq3A_57 : vector<1x512xi32>
    %convert_element_type3A_59 = arith.extui %eq3A_58 : vector<1x512xi1> to vector<1x512xi32>
    %convert_element_type3A_60 = arith.sitofp %convert_element_type3A_59 : vector<1x512xi32> to vector<1x512xf32>
    %get3A_61 = arith.constant 0 : index
    %get3A_62 = arith.constant 0 : index
    %get3A_63 = vector.load %arg14[%get3A_61, %get3A_62] : memref<1x512xf32, #tpu.memory_space<vmem>>, vector<1x512xf32>
    %add3A = arith.addf %get3A_63, %convert_element_type3A_60 : vector<1x512xf32>
    %swap3A = arith.constant 0 : index
    %swap3A_64 = arith.constant 0 : index
    %swap3A_65 = vector.load %arg14[%swap3A, %swap3A_64] : memref<1x512xf32, #tpu.memory_space<vmem>>, vector<1x512xf32>
    tpu.vector_store %arg14[%swap3A, %swap3A_64], %add3A {strides = array<i32>} : memref<1x512xf32, #tpu.memory_space<vmem>>, vector<1x512xf32>,
    %get3A_66 = arith.constant 0 : index
    %get3A_67 = arith.constant 0 : index
    %get3A_68 = vector.load %arg12[%get3A_66, %get3A_67] : memref<2x512xi32, #tpu.memory_space<vmem>>, vector<1x512xi32>
    %get3A_69 = arith.constant 1 : index
    %get3A_70 = arith.constant 0 : index
    %get3A_71 = vector.load %arg12[%get3A_69, %get3A_70] : memref<2x512xi32, #tpu.memory_space<vmem>>, vector<1x512xi32>
    %get3A_72 = arith.constant 0 : index
    %get3A_73 = arith.constant 0 : index
    %get3A_74 = vector.load %arg13[%get3A_72, %get3A_73] : memref<2x512xf32, #tpu.memory_space<vmem>>, vector<1x512xf32>
    %get3A_75 = arith.constant 1 : index
    %get3A_76 = arith.constant 0 : index
    %get3A_77 = vector.load %arg13[%get3A_75, %get3A_76] : memref<2x512xf32, #tpu.memory_space<vmem>>, vector<1x512xf32>
    %xor3A = vector.broadcast %abs3A_29 : i32 to vector<1x512xi32>
    %xor3A_78 = arith.xori %xor3A, %get3A_71 : vector<1x512xi32>
    %add3A_79 = arith.constant 1 : i32
    %add3A_80 = vector.broadcast %add3A_79 : i32 to vector<1x512xi32>
    %add3A_81 = arith.addi %xor3A_78, %add3A_80 : vector<1x512xi32>
    %convert_element_type3A_82 = arith.sitofp %add3A_81 : vector<1x512xi32> to vector<1x512xf32>
    %bitcast_convert_type3A = tpu.bitcast %convert_element_type3A_82 : vector<1x512xf32> -> vector<1x512xi32>
    %shift_right_arithmetic3A = arith.constant 23 : i32
    %shift_right_arithmetic3A_83 = vector.broadcast %shift_right_arithmetic3A : i32 to vector<1x512xi32>
    %shift_right_arithmetic3A_84 = arith.shrsi %bitcast_convert_type3A, %shift_right_arithmetic3A_83 : vector<1x512xi32>
    %sub3A = arith.constant 134 : i32
    %sub3A_85 = vector.broadcast %sub3A : i32 to vector<1x512xi32>
    %sub3A_86 = arith.subi %sub3A_85, %shift_right_arithmetic3A_84 : vector<1x512xi32>
    %convert_element_type3A_87 = arith.sitofp %sub3A_86 : vector<1x512xi32> to vector<1x512xf32>
    %mul3A = vector.broadcast %convert_element_type3A_44 : f32 to vector<1x512xf32>
    %mul3A_88 = arith.mulf %get3A_77, %mul3A : vector<1x512xf32>
    %mul3A_89 = arith.mulf %convert_element_type3A_87, %mul3A_88 : vector<1x512xf32>
    %xor3A_90 = vector.broadcast %abs3A : i32 to vector<136x1xi32>
    %xor3A_91 = arith.xori %xor3A_90, %get3A_50 : vector<136x1xi32>
    %eq3A_92 = arith.constant 0 : i32
    %eq3A_93 = vector.broadcast %eq3A_92 : i32 to vector<136x1xi32>
    %eq3A_94 = arith.cmpi eq, %xor3A_91, %eq3A_93 : vector<136x1xi32>
    %jit3A = arith.constant 0.000000e+00 : f32
    %broadcast_in_dim3A = vector.broadcast %jit3A : f32 to vector<136x1xf32>
    %select_n3A = arith.select %eq3A_94, %broadcast_in_dim3A, %get3A_14 : vector<136x1xi1>, vector<136x1xf32>
    %xor3A_95 = vector.broadcast %xor3A_91 : vector<136x1xi32> to vector<136x512xi32>
    %xor3A_96 = vector.broadcast %get3A_68 : vector<1x512xi32> to vector<136x512xi32>
    %xor3A_97 = arith.xori %xor3A_95, %xor3A_96 : vector<136x512xi32>
    %add3A_98 = arith.constant 1 : i32
    %add3A_99 = vector.broadcast %add3A_98 : i32 to vector<136x512xi32>
    %add3A_100 = arith.addi %xor3A_97, %add3A_99 : vector<136x512xi32>
    %convert_element_type3A_101 = arith.sitofp %add3A_100 : vector<136x512xi32> to vector<136x512xf32>
    %bitcast_convert_type3A_102 = tpu.bitcast %convert_element_type3A_101 : vector<136x512xf32> -> vector<136x512xi32>
    %shift_right_arithmetic3A_103 = arith.constant 23 : i32
    %shift_right_arithmetic3A_104 = vector.broadcast %shift_right_arithmetic3A_103 : i32 to vector<136x512xi32>
    %shift_right_arithmetic3A_105 = arith.shrsi %bitcast_convert_type3A_102, %shift_right_arithmetic3A_104 : vector<136x512xi32>
    %sub3A_106 = arith.constant 134 : i32
    %sub3A_107 = vector.broadcast %sub3A_106 : i32 to vector<136x512xi32>
    %sub3A_108 = arith.subi %sub3A_107, %shift_right_arithmetic3A_105 : vector<136x512xi32>
    %convert_element_type3A_109 = arith.sitofp %sub3A_108 : vector<136x512xi32> to vector<136x512xf32>
    %mul3A_110 = vector.broadcast %select_n3A : vector<136x1xf32> to vector<136x512xf32>
    %mul3A_111 = vector.broadcast %get3A_74 : vector<1x512xf32> to vector<136x512xf32>
    %mul3A_112 = arith.mulf %mul3A_110, %mul3A_111 : vector<136x512xf32>
    %mul3A_113 = arith.mulf %convert_element_type3A_109, %mul3A_112 : vector<136x512xf32>
    %add3A_114 = vector.broadcast %mul3A_89 : vector<1x512xf32> to vector<136x512xf32>
    %add3A_115 = arith.addf %mul3A_113, %add3A_114 : vector<136x512xf32>
    %sub3A_116 = vector.broadcast %get3A_28 : vector<1x512xf32> to vector<136x512xf32>
    %sub3A_117 = arith.subf %add3A_115, %sub3A_116 : vector<136x512xf32>
    %abs3A_118 = math.absf %sub3A_117 : vector<136x512xf32>
    %reduce_sum3A = arith.constant dense<0.000000e+00> : vector<136xf32>
    %reduce_sum3A_119 = vector.multi_reduction <add>, %abs3A_118, %reduce_sum3A [1] : vector<136x512xf32> to vector<136xf32>
    %broadcast_in_dim3A_120 = vector.shape_cast %reduce_sum3A_119 : vector<136xf32> to vector<136x1xf32>
    %lt3A = arith.constant 1.290000e+02 : f32
    %lt3A_121 = vector.broadcast %lt3A : f32 to vector<136x1xf32>
    %lt3A_122 = arith.cmpf olt, %convert_element_type3A_9, %lt3A_121 : vector<136x1xf32>
    %jit3A_123 = arith.constant 3.000000e+38 : f32
    %broadcast_in_dim3A_124 = vector.broadcast %jit3A_123 : f32 to vector<136x1xf32>
    %select_n3A_125 = arith.select %lt3A_122, %broadcast_in_dim3A_120, %broadcast_in_dim3A_124 : vector<136x1xi1>, vector<136x1xf32>
    %reduce_min3A = arith.constant dense<0x7F800000> : vector<1xf32>
    %reduce_min3A_126 = vector.multi_reduction <minimumf>, %select_n3A_125, %reduce_min3A [0] : vector<136x1xf32> to vector<1xf32>
    %broadcast_in_dim3A_127 = vector.shape_cast %reduce_min3A_126 : vector<1xf32> to vector<1x1xf32>
    %eq3A_128 = vector.broadcast %broadcast_in_dim3A_127 : vector<1x1xf32> to vector<136x1xf32>
    %eq3A_129 = arith.cmpf oeq, %select_n3A_125, %eq3A_128 : vector<136x1xf32>
    %jit3A_130 = arith.constant 1.000000e+09 : f32
    %broadcast_in_dim3A_131 = vector.broadcast %jit3A_130 : f32 to vector<136x1xf32>
    %select_n3A_132 = arith.select %eq3A_129, %convert_element_type3A_9, %broadcast_in_dim3A_131 : vector<136x1xi1>, vector<136x1xf32>
    %reduce_min3A_133 = arith.constant dense<0x7F800000> : vector<1xf32>
    %reduce_min3A_134 = vector.multi_reduction <minimumf>, %select_n3A_132, %reduce_min3A_133 [0] : vector<136x1xf32> to vector<1xf32>
    %broadcast_in_dim3A_135 = vector.shape_cast %reduce_min3A_134 : vector<1xf32> to vector<1x1xf32>
    %convert_element_type3A_136 = arith.sitofp %xor3A_91 : vector<136x1xi32> to vector<136x1xf32>
    %mul3A_137 = arith.mulf %get3A_14, %convert_element_type3A_136 : vector<136x1xf32>
    %eq3A_138 = vector.broadcast %broadcast_in_dim3A_135 : vector<1x1xf32> to vector<136x1xf32>
    %eq3A_139 = arith.cmpf oeq, %convert_element_type3A_9, %eq3A_138 : vector<136x1xf32>
    %jit3A_140 = arith.constant 0.000000e+00 : f32
    %broadcast_in_dim3A_141 = vector.broadcast %jit3A_140 : f32 to vector<136x1xf32>
    %select_n3A_142 = arith.select %eq3A_139, %mul3A_137, %broadcast_in_dim3A_141 : vector<136x1xi1>, vector<136x1xf32>
    %reduce_sum3A_143 = arith.constant dense<0.000000e+00> : vector<1xf32>
    %reduce_sum3A_144 = vector.multi_reduction <add>, %select_n3A_142, %reduce_sum3A_143 [0] : vector<136x1xf32> to vector<1xf32>
    %broadcast_in_dim3A_145 = vector.shape_cast %reduce_sum3A_144 : vector<1xf32> to vector<1x1xf32>
    %get3A_146 = arith.constant 0 : index
    %get3A_147 = arith.constant 0 : index
    %get3A_148 = vector.load %arg16[%get3A_146, %get3A_147] : memref<1x1xf32, #tpu.memory_space<vmem>>, vector<1x1xf32>
    %add3A_149 = arith.addf %get3A_148, %broadcast_in_dim3A_127 : vector<1x1xf32>
    %swap3A_150 = arith.constant 0 : index
    %swap3A_151 = arith.constant 0 : index
    %swap3A_152 = vector.load %arg16[%swap3A_150, %swap3A_151] : memref<1x1xf32, #tpu.memory_space<vmem>>, vector<1x1xf32>
    tpu.vector_store %arg16[%swap3A_150, %swap3A_151], %add3A_149 {strides = array<i32>} : memref<1x1xf32, #tpu.memory_space<vmem>>, vector<1x1xf32>,
    %convert_element_type3A_153 = arith.fptosi %broadcast_in_dim3A_145 : vector<1x1xf32> to vector<1x1xi32>
    %swap3A_154 = arith.constant 0 : index
    %swap3A_155 = arith.constant 0 : index
    %swap3A_156 = arith.constant 0 : index
    %swap3A_157 = vector.load %arg9[%swap3A_154, %swap3A_155, %swap3A_156] : memref<1x1x2xi32, #tpu.memory_space<vmem>>, vector<1x1x1xi32>
    %swap3A_158 = vector.shape_cast %swap3A_157 : vector<1x1x1xi32> to vector<1x1xi32>
    %swap3A_159 = vector.shape_cast %convert_element_type3A_153 : vector<1x1xi32> to vector<1x1x1xi32>
    tpu.vector_store %arg9[%swap3A_154, %swap3A_155, %swap3A_156], %swap3A_159 {strides = array<i32>} : memref<1x1x2xi32, #tpu.memory_space<vmem>>, vector<1x1x1xi32>,
    %get3A_160 = arith.constant 0 : index
    %get3A_161 = arith.constant 0 : index
    %get3A_162 = vector.load %arg15[%get3A_160, %get3A_161] : memref<2x512xf32, #tpu.memory_space<vmem>>, vector<1x512xf32>
    %mul3A_163 = vector.broadcast %broadcast_in_dim3A_145 : vector<1x1xf32> to vector<1x512xf32>
    %mul3A_164 = arith.mulf %convert_element_type3A_60, %mul3A_163 : vector<1x512xf32>
    %add3A_165 = arith.addf %get3A_162, %mul3A_164 : vector<1x512xf32>
    %swap3A_166 = arith.constant 0 : index
    %swap3A_167 = arith.constant 0 : index
    %swap3A_168 = vector.load %arg15[%swap3A_166, %swap3A_167] : memref<2x512xf32, #tpu.memory_space<vmem>>, vector<1x512xf32>
    tpu.vector_store %arg15[%swap3A_166, %swap3A_167], %add3A_165 {strides = array<i32>} : memref<2x512xf32, #tpu.memory_space<vmem>>, vector<1x512xf32>,
    %get3A_169 = arith.constant 1 : index
    %get3A_170 = arith.constant 0 : index
    %get3A_171 = vector.load %arg12[%get3A_169, %get3A_170] : memref<2x512xi32, #tpu.memory_space<vmem>>, vector<1x512xi32>
    %get3A_172 = arith.constant 0 : index
    %get3A_173 = arith.constant 0 : index
    %get3A_174 = vector.load %arg12[%get3A_172, %get3A_173] : memref<2x512xi32, #tpu.memory_space<vmem>>, vector<1x512xi32>
    %get3A_175 = arith.constant 1 : index
    %get3A_176 = arith.constant 0 : index
    %get3A_177 = vector.load %arg13[%get3A_175, %get3A_176] : memref<2x512xf32, #tpu.memory_space<vmem>>, vector<1x512xf32>
    %get3A_178 = arith.constant 0 : index
    %get3A_179 = arith.constant 0 : index
    %get3A_180 = vector.load %arg13[%get3A_178, %get3A_179] : memref<2x512xf32, #tpu.memory_space<vmem>>, vector<1x512xf32>
    %xor3A_181 = vector.broadcast %abs3A : i32 to vector<1x512xi32>
    %xor3A_182 = arith.xori %xor3A_181, %get3A_174 : vector<1x512xi32>
    %add3A_183 = arith.constant 1 : i32
    %add3A_184 = vector.broadcast %add3A_183 : i32 to vector<1x512xi32>
    %add3A_185 = arith.addi %xor3A_182, %add3A_184 : vector<1x512xi32>
    %convert_element_type3A_186 = arith.sitofp %add3A_185 : vector<1x512xi32> to vector<1x512xf32>
    %bitcast_convert_type3A_187 = tpu.bitcast %convert_element_type3A_186 : vector<1x512xf32> -> vector<1x512xi32>
    %shift_right_arithmetic3A_188 = arith.constant 23 : i32
    %shift_right_arithmetic3A_189 = vector.broadcast %shift_right_arithmetic3A_188 : i32 to vector<1x512xi32>
    %shift_right_arithmetic3A_190 = arith.shrsi %bitcast_convert_type3A_187, %shift_right_arithmetic3A_189 : vector<1x512xi32>
    %sub3A_191 = arith.constant 134 : i32
    %sub3A_192 = vector.broadcast %sub3A_191 : i32 to vector<1x512xi32>
    %sub3A_193 = arith.subi %sub3A_192, %shift_right_arithmetic3A_190 : vector<1x512xi32>
    %convert_element_type3A_194 = arith.sitofp %sub3A_193 : vector<1x512xi32> to vector<1x512xf32>
    %mul3A_195 = vector.broadcast %convert_element_type3A_36 : f32 to vector<1x512xf32>
    %mul3A_196 = arith.mulf %get3A_180, %mul3A_195 : vector<1x512xf32>
    %mul3A_197 = arith.mulf %convert_element_type3A_194, %mul3A_196 : vector<1x512xf32>
    %xor3A_198 = vector.broadcast %abs3A_29 : i32 to vector<136x1xi32>
    %xor3A_199 = arith.xori %xor3A_198, %get3A_56 : vector<136x1xi32>
    %eq3A_200 = arith.constant 0 : i32
    %eq3A_201 = vector.broadcast %eq3A_200 : i32 to vector<136x1xi32>
    %eq3A_202 = arith.cmpi eq, %xor3A_199, %eq3A_201 : vector<136x1xi32>
    %jit3A_203 = arith.constant 0.000000e+00 : f32
    %broadcast_in_dim3A_204 = vector.broadcast %jit3A_203 : f32 to vector<136x1xf32>
    %select_n3A_205 = arith.select %eq3A_202, %broadcast_in_dim3A_204, %get3A_14 : vector<136x1xi1>, vector<136x1xf32>
    %xor3A_206 = vector.broadcast %xor3A_199 : vector<136x1xi32> to vector<136x512xi32>
    %xor3A_207 = vector.broadcast %get3A_171 : vector<1x512xi32> to vector<136x512xi32>
    %xor3A_208 = arith.xori %xor3A_206, %xor3A_207 : vector<136x512xi32>
    %add3A_209 = arith.constant 1 : i32
    %add3A_210 = vector.broadcast %add3A_209 : i32 to vector<136x512xi32>
    %add3A_211 = arith.addi %xor3A_208, %add3A_210 : vector<136x512xi32>
    %convert_element_type3A_212 = arith.sitofp %add3A_211 : vector<136x512xi32> to vector<136x512xf32>
    %bitcast_convert_type3A_213 = tpu.bitcast %convert_element_type3A_212 : vector<136x512xf32> -> vector<136x512xi32>
    %shift_right_arithmetic3A_214 = arith.constant 23 : i32
    %shift_right_arithmetic3A_215 = vector.broadcast %shift_right_arithmetic3A_214 : i32 to vector<136x512xi32>
    %shift_right_arithmetic3A_216 = arith.shrsi %bitcast_convert_type3A_213, %shift_right_arithmetic3A_215 : vector<136x512xi32>
    %sub3A_217 = arith.constant 134 : i32
    %sub3A_218 = vector.broadcast %sub3A_217 : i32 to vector<136x512xi32>
    %sub3A_219 = arith.subi %sub3A_218, %shift_right_arithmetic3A_216 : vector<136x512xi32>
    %convert_element_type3A_220 = arith.sitofp %sub3A_219 : vector<136x512xi32> to vector<136x512xf32>
    %mul3A_221 = vector.broadcast %select_n3A_205 : vector<136x1xf32> to vector<136x512xf32>
    %mul3A_222 = vector.broadcast %get3A_177 : vector<1x512xf32> to vector<136x512xf32>
    %mul3A_223 = arith.mulf %mul3A_221, %mul3A_222 : vector<136x512xf32>
    %mul3A_224 = arith.mulf %convert_element_type3A_220, %mul3A_223 : vector<136x512xf32>
    %add3A_225 = vector.broadcast %mul3A_197 : vector<1x512xf32> to vector<136x512xf32>
    %add3A_226 = arith.addf %mul3A_224, %add3A_225 : vector<136x512xf32>
    %sub3A_227 = vector.broadcast %get3A_28 : vector<1x512xf32> to vector<136x512xf32>
    %sub3A_228 = arith.subf %add3A_226, %sub3A_227 : vector<136x512xf32>
    %abs3A_229 = math.absf %sub3A_228 : vector<136x512xf32>
    %reduce_sum3A_230 = arith.constant dense<0.000000e+00> : vector<136xf32>
    %reduce_sum3A_231 = vector.multi_reduction <add>, %abs3A_229, %reduce_sum3A_230 [1] : vector<136x512xf32> to vector<136xf32>
    %broadcast_in_dim3A_232 = vector.shape_cast %reduce_sum3A_231 : vector<136xf32> to vector<136x1xf32>
    %lt3A_233 = arith.constant 1.290000e+02 : f32
    %lt3A_234 = vector.broadcast %lt3A_233 : f32 to vector<136x1xf32>
    %lt3A_235 = arith.cmpf olt, %convert_element_type3A_9, %lt3A_234 : vector<136x1xf32>
    %jit3A_236 = arith.constant 3.000000e+38 : f32
    %broadcast_in_dim3A_237 = vector.broadcast %jit3A_236 : f32 to vector<136x1xf32>
    %select_n3A_238 = arith.select %lt3A_235, %broadcast_in_dim3A_232, %broadcast_in_dim3A_237 : vector<136x1xi1>, vector<136x1xf32>
    %reduce_min3A_239 = arith.constant dense<0x7F800000> : vector<1xf32>
    %reduce_min3A_240 = vector.multi_reduction <minimumf>, %select_n3A_238, %reduce_min3A_239 [0] : vector<136x1xf32> to vector<1xf32>
    %broadcast_in_dim3A_241 = vector.shape_cast %reduce_min3A_240 : vector<1xf32> to vector<1x1xf32>
    %eq3A_242 = vector.broadcast %broadcast_in_dim3A_241 : vector<1x1xf32> to vector<136x1xf32>
    %eq3A_243 = arith.cmpf oeq, %select_n3A_238, %eq3A_242 : vector<136x1xf32>
    %jit3A_244 = arith.constant 1.000000e+09 : f32
    %broadcast_in_dim3A_245 = vector.broadcast %jit3A_244 : f32 to vector<136x1xf32>
    %select_n3A_246 = arith.select %eq3A_243, %convert_element_type3A_9, %broadcast_in_dim3A_245 : vector<136x1xi1>, vector<136x1xf32>
    %reduce_min3A_247 = arith.constant dense<0x7F800000> : vector<1xf32>
    %reduce_min3A_248 = vector.multi_reduction <minimumf>, %select_n3A_246, %reduce_min3A_247 [0] : vector<136x1xf32> to vector<1xf32>
    %broadcast_in_dim3A_249 = vector.shape_cast %reduce_min3A_248 : vector<1xf32> to vector<1x1xf32>
    %convert_element_type3A_250 = arith.sitofp %xor3A_199 : vector<136x1xi32> to vector<136x1xf32>
    %mul3A_251 = arith.mulf %get3A_14, %convert_element_type3A_250 : vector<136x1xf32>
    %eq3A_252 = vector.broadcast %broadcast_in_dim3A_249 : vector<1x1xf32> to vector<136x1xf32>
    %eq3A_253 = arith.cmpf oeq, %convert_element_type3A_9, %eq3A_252 : vector<136x1xf32>
    %jit3A_254 = arith.constant 0.000000e+00 : f32
    %broadcast_in_dim3A_255 = vector.broadcast %jit3A_254 : f32 to vector<136x1xf32>
    %select_n3A_256 = arith.select %eq3A_253, %mul3A_251, %broadcast_in_dim3A_255 : vector<136x1xi1>, vector<136x1xf32>
    %reduce_sum3A_257 = arith.constant dense<0.000000e+00> : vector<1xf32>
    %reduce_sum3A_258 = vector.multi_reduction <add>, %select_n3A_256, %reduce_sum3A_257 [0] : vector<136x1xf32> to vector<1xf32>
    %broadcast_in_dim3A_259 = vector.shape_cast %reduce_sum3A_258 : vector<1xf32> to vector<1x1xf32>
    %get3A_260 = arith.constant 0 : index
    %get3A_261 = arith.constant 0 : index
    %get3A_262 = vector.load %arg16[%get3A_260, %get3A_261] : memref<1x1xf32, #tpu.memory_space<vmem>>, vector<1x1xf32>
    %add3A_263 = arith.addf %get3A_262, %broadcast_in_dim3A_241 : vector<1x1xf32>
    %swap3A_264 = arith.constant 0 : index
    %swap3A_265 = arith.constant 0 : index
    %swap3A_266 = vector.load %arg16[%swap3A_264, %swap3A_265] : memref<1x1xf32, #tpu.memory_space<vmem>>, vector<1x1xf32>
    tpu.vector_store %arg16[%swap3A_264, %swap3A_265], %add3A_263 {strides = array<i32>} : memref<1x1xf32, #tpu.memory_space<vmem>>, vector<1x1xf32>,
    %convert_element_type3A_267 = arith.fptosi %broadcast_in_dim3A_259 : vector<1x1xf32> to vector<1x1xi32>
    %swap3A_268 = arith.constant 0 : index
    %swap3A_269 = arith.constant 0 : index
    %swap3A_270 = arith.constant 1 : index
    %swap3A_271 = vector.load %arg9[%swap3A_268, %swap3A_269, %swap3A_270] : memref<1x1x2xi32, #tpu.memory_space<vmem>>, vector<1x1x1xi32>
    %swap3A_272 = vector.shape_cast %swap3A_271 : vector<1x1x1xi32> to vector<1x1xi32>
    %swap3A_273 = vector.shape_cast %convert_element_type3A_267 : vector<1x1xi32> to vector<1x1x1xi32>
    tpu.vector_store %arg9[%swap3A_268, %swap3A_269, %swap3A_270], %swap3A_273 {strides = array<i32>} : memref<1x1x2xi32, #tpu.memory_space<vmem>>, vector<1x1x1xi32>,
    %get3A_274 = arith.constant 1 : index
    %get3A_275 = arith.constant 0 : index
    %get3A_276 = vector.load %arg15[%get3A_274, %get3A_275] : memref<2x512xf32, #tpu.memory_space<vmem>>, vector<1x512xf32>
    %mul3A_277 = vector.broadcast %broadcast_in_dim3A_259 : vector<1x1xf32> to vector<1x512xf32>
    %mul3A_278 = arith.mulf %convert_element_type3A_60, %mul3A_277 : vector<1x512xf32>
    %add3A_279 = arith.addf %get3A_276, %mul3A_278 : vector<1x512xf32>
    %swap3A_280 = arith.constant 1 : index
    %swap3A_281 = arith.constant 0 : index
    %swap3A_282 = vector.load %arg15[%swap3A_280, %swap3A_281] : memref<2x512xf32, #tpu.memory_space<vmem>>, vector<1x512xf32>
    tpu.vector_store %arg15[%swap3A_280, %swap3A_281], %add3A_279 {strides = array<i32>} : memref<2x512xf32, #tpu.memory_space<vmem>>, vector<1x512xf32>,
    %eq3A_283 = arith.constant 127 : i32
    %eq3A_284 = arith.cmpi eq, %arg1, %eq3A_283 : i32
    %convert_element_type3A_285 = arith.extui %eq3A_284 : i1 to i32
    %cond3A_286 = arith.constant 0 : i32
    %cond3A_287 = arith.cmpi ne, %convert_element_type3A_285, %cond3A_286 : i32
    scf.if %cond3A_287 {
      %get3A_296 = arith.constant 0 : index
      %get3A_297 = arith.constant 0 : index
      %get3A_298 = vector.load %arg11[%get3A_296, %get3A_297] : memref<2x512xf32, #tpu.memory_space<vmem>>, vector<2x512xf32>
      %get3A_299 = arith.constant 0 : index
      %get3A_300 = arith.constant 0 : index
      %get3A_301 = vector.load %arg14[%get3A_299, %get3A_300] : memref<1x512xf32, #tpu.memory_space<vmem>>, vector<1x512xf32>
      %sub3A_302 = arith.constant 1.000000e+00 : f32
      %sub3A_303 = vector.broadcast %sub3A_302 : f32 to vector<1x512xf32>
      %sub3A_304 = arith.subf %sub3A_303, %get3A_301 : vector<1x512xf32>
      %mul3A_305 = vector.broadcast %sub3A_304 : vector<1x512xf32> to vector<2x512xf32>
      %mul3A_306 = arith.mulf %get3A_298, %mul3A_305 : vector<2x512xf32>
      %get3A_307 = arith.constant 0 : index
      %get3A_308 = arith.constant 0 : index
      %get3A_309 = vector.load %arg15[%get3A_307, %get3A_308] : memref<2x512xf32, #tpu.memory_space<vmem>>, vector<2x512xf32>
      %add3A_310 = arith.addf %mul3A_306, %get3A_309 : vector<2x512xf32>
      %swap3A_311 = arith.constant 0 : index
      %swap3A_312 = arith.constant 0 : index
      %swap3A_313 = vector.load %arg11[%swap3A_311, %swap3A_312] : memref<2x512xf32, #tpu.memory_space<vmem>>, vector<2x512xf32>
      tpu.vector_store %arg11[%swap3A_311, %swap3A_312], %add3A_310 {strides = array<i32>} : memref<2x512xf32, #tpu.memory_space<vmem>>, vector<2x512xf32>,
    } else {
    }
    %eq3A_288 = arith.constant 3 : i32
    %eq3A_289 = arith.cmpi eq, %arg0, %eq3A_288 : i32
    %eq3A_290 = arith.constant 127 : i32
    %eq3A_291 = arith.cmpi eq, %arg1, %eq3A_290 : i32
    %and3A_292 = arith.andi %eq3A_289, %eq3A_291 : i1
    %convert_element_type3A_293 = arith.extui %and3A_292 : i1 to i32
    %cond3A_294 = arith.constant 0 : i32
    %cond3A_295 = arith.cmpi ne, %convert_element_type3A_293, %cond3A_294 : i32
    scf.if %cond3A_295 {
      %get3A_296 = arith.constant 0 : index
      %get3A_297 = arith.constant 0 : index
      %get3A_298 = vector.load %arg16[%get3A_296, %get3A_297] : memref<1x1xf32, #tpu.memory_space<vmem>>, vector<1x1xf32>
      %mul3A_299 = arith.constant 1.90734863E-6 : f32
      %mul3A_300 = vector.broadcast %mul3A_299 : f32 to vector<1x1xf32>
      %mul3A_301 = arith.mulf %get3A_298, %mul3A_300 : vector<1x1xf32>
      %swap3A_302 = arith.constant 0 : index
      %swap3A_303 = arith.constant 0 : index
      %swap3A_304 = vector.load %arg10[%swap3A_302, %swap3A_303] : memref<1x1xf32, #tpu.memory_space<vmem>>, vector<1x1xf32>
      tpu.vector_store %arg10[%swap3A_302, %swap3A_303], %mul3A_301 {strides = array<i32>} : memref<1x1xf32, #tpu.memory_space<vmem>>, vector<1x1xf32>,
    } else {
    }
    return
  }
  func.func @transform_0(%arg0: i32, %arg1: i32) -> (i32, i32) {
    %c0_i32 = arith.constant 0 : i32
    %c0_i32_0 = arith.constant 0 : i32
    %c0_i32_1 = arith.constant 0 : i32
    return %c0_i32, %c0_i32_0 : i32, i32
  }
  func.func @transform_1(%arg0: i32, %arg1: i32) -> (i32, i32, i32) {
    %c0_i32 = arith.constant 0 : i32
    %c0_i32_0 = arith.constant 0 : i32
    %c0_i32_1 = arith.constant 0 : i32
    %c0_i32_2 = arith.constant 0 : i32
    return %c0_i32, %c0_i32_0, %c0_i32_1 : i32, i32, i32
  }
  func.func @transform_2(%arg0: i32, %arg1: i32) -> (i32, i32, i32, i32) {
    %c0_i32 = arith.constant 0 : i32
    %c0_i32_0 = arith.constant 0 : i32
    %c0_i32_1 = arith.constant 0 : i32
    return %arg0, %arg1, %c0_i32, %c0_i32_0 : i32, i32, i32, i32
  }
  func.func @transform_3(%arg0: i32, %arg1: i32) -> (i32, i32, i32, i32) {
    %c0_i32 = arith.constant 0 : i32
    %c0_i32_0 = arith.constant 0 : i32
    %c0_i32_1 = arith.constant 0 : i32
    return %arg0, %arg1, %c0_i32, %c0_i32_0 : i32, i32, i32, i32
  }
  func.func @transform_4(%arg0: i32, %arg1: i32) -> (i32, i32, i32) {
    %c0_i32 = arith.constant 0 : i32
    %c0_i32_0 = arith.constant 0 : i32
    %c0_i32_1 = arith.constant 0 : i32
    return %arg0, %c0_i32, %c0_i32_0 : i32, i32, i32
  }
  func.func @transform_5(%arg0: i32, %arg1: i32) -> (i32, i32) {
    %c0_i32 = arith.constant 0 : i32
    %c0_i32_0 = arith.constant 0 : i32
    %c0_i32_1 = arith.constant 0 : i32
    return %c0_i32, %c0_i32_0 : i32, i32
  }
  func.func @transform_6(%arg0: i32, %arg1: i32) -> (i32, i32) {
    %c0_i32 = arith.constant 0 : i32
    %c0_i32_0 = arith.constant 0 : i32
    %c0_i32_1 = arith.constant 0 : i32
    return %c0_i32, %c0_i32_0 : i32, i32
  }
  func.func @transform_7(%arg0: i32, %arg1: i32) -> (i32, i32, i32) {
    %mul3A = arith.constant 128 : i32
    %mul3A_0 = arith.muli %arg0, %mul3A : i32
    %add3A = arith.addi %mul3A_0, %arg1 : i32
    %c0_i32 = arith.constant 0 : i32
    %c0_i32_1 = arith.constant 0 : i32
    %c0_i32_2 = arith.constant 0 : i32
    return %add3A, %c0_i32, %c0_i32_1 : i32, i32, i32
  }
  func.func @transform_8(%arg0: i32, %arg1: i32) -> (i32, i32) {
    %c0_i32 = arith.constant 0 : i32
    %c0_i32_0 = arith.constant 0 : i32
    %c0_i32_1 = arith.constant 0 : i32
    return %c0_i32, %c0_i32_0 : i32, i32
  }
}

</mosaic_0001>

<sc_bundles>
// kernel: kernel.6.cloned.1.call-start
scs
__scs_entry_jumppad:
0x0: {  	(pc) =	sbr.rel $0x88, $3  }
0x1: {  	(tag) =	ssettag $0x0;
	lr =	simm.s32 $0x1  }
0x2: {  	[smem:$0x3F9F] =	sst lr;
	_ =	strace $0xD0000000  }
0x3: {  	_ = 	snop  }
0x4: {  	_ = 	snop  }
0x5: {  	_ = 	snop  }
0x6: {  	_ = 	snop  }
0x7: {  	_ = 	snop  }
__scs_overlays_trampoline_lowered:
0x8: {  	[smem:$0x3FAE] =	sst s0  }
0x9: {  	[smem:$0x3FAF] =	sst s1  }
0xa: {  	[smem:$0x3FB0] =	sst s2  }
0xb: {  	[smem:$0x3FB1] =	sst s3  }
0xc: {  	[smem:$0x3FB2] =	sst s4  }
0xd: {  	[smem:$0x3FB3] =	sst s5  }
0xe: {  	[smem:$0x3FB4] =	sst s6  }
0xf: {  	[smem:$0x3FB5] =	sst s7  }
0x10: {  	[smem:$0x3FB6] =	sst s8  }
0x11: {  	[smem:$0x3FB7] =	sst s9;
	s0 =	simm.s32 @!p0 $0x0  }
0x12: {  	s1 =	sld [smem:$0x3F9D];
	s0 =	simm.s32 @p0 $0x1  }
0x13: {  	[smem:$0x3FB8] =	sst s0;
	s0 =	simm.s32 @!p1 $0x0  }
0x14: {  	s2 =	sld [smem:$0x3F9C];
	s0 =	simm.s32 @p1 $0x1  }
0x15: {  	[smem:$0x3FB9] =	sst s0;
	s0 =	simm.s32 @!p2 $0x0  }
0x16: {  	s3 =	sld [smem:$0x3FDB];
	s0 =	simm.s32 @p2 $0x1  }
0x17: {  	s4 =	simm.s32 $0x1BF5;
	[smem:$0x3FBB] =	sst s0  }
0x18: {  	s0 =	sld [smem:$0x3F9E];
	_ =	swait.ge [sflag:s4], $0x0  }
0x19: {  	s7 =	sld [smem:$0x3F9F]  }
0x1a: {  	s8 =	sadd.s32 $0xFFFFE003, lr  }
0x1b: {  	s9 =	sadd.s32 $0xFFFFFEF7, lr;
	s5 =	simm.s32 $0xFFFFFFFF;
	p2 =	slt.u32 s8, $0xFFFFF086  }
0x1c: {  	p1 =	slt.u32 s9, $0xF7A;
	s5 =	simm.s32 @!p2 $0x0  }
0x1d: {  	s5 =	simm.s32 @p1 $0x1;
	p0 =	seq.s32 s7, s2  }
0x1e: {  	s7 =	smul.u32 @!p0 $0xF7A, s2;
	p2 =	seq.s32 @!p0 s5, $0x0  }
0x1f: {  	s9 =	smul.u32 $0xF7A, s1;
	s8 =	simm.s32 @!p0 $0x1BF5;
	p2 =	por !p2, p0  }
0x20: {  	[sflag:s8] =	ssyncset.s32 @!p0 $0xFFFFF086;
	s6 =	sadd.s32 @!p0 s3, s7;
	s7 =	simm.s32 @!p0 $0x108  }
0x21: {  	s3 =	sadd.s32 s3, s9;
	s6 =	sadd.s32 @!p0 $0x88, s6;
	s7 =	simm.s32 @p2 $0x1082  }
0x22: {  	[simem:s7], [sflag:s8] =	dma.local @!p0 [hbm:s6], $0xF7A  }
0x23: {  	s9 =	sor.u32 $0xD0000000, s2;
	s6 =	simm.s32 $0x108;
	_ =	swait.ge @!p0 [sflag:s8], $0x0  }
0x24: {  	s3 =	sadd.s32 $0x88, s3;
	s6 =	simm.s32 @!p1 $0x1082;
	[sflag:s4] =	ssyncset.s32 $0xFFFFF086  }
0x25: {  	[simem:s6], [sflag:s4] =	dma.local [hbm:s3], $0xF7A  }
0x26: {  	[smem:$0x3F9F] =	sst s1;
	(tag) =	ssettag s2;
	_ =	strace s9  }
0x27: {  	s1 =	sld [smem:$0x3FAF]  }
0x28: {  	s2 =	sld [smem:$0x3FB0]  }
0x29: {  	s4 =	sld [smem:$0x3FB2]  }
0x2a: {  	p0 =	seq.s32 s5, $0x0;
	s5 =	sld [smem:$0x3FB3]  }
0x2b: {  	s6 =	sld [smem:$0x3FB4]  }
0x2c: {  	s7 =	sld [smem:$0x3FB5]  }
0x2d: {  	s3 =	simm.s32 $0x108;
	s8 =	sld [smem:$0x3FB6]  }
0x2e: {  	s3 =	simm.s32 @!p0 $0x1082;
	s9 =	sld [smem:$0x3FB7]  }
0x2f: {  	lr =	sadd.s32 s0, s3;
	s0 =	sld [smem:$0x3FAE]  }
0x30: {  	s3 =	sld [smem:$0x3FB1]  }
0x31: {  	[smem:$0x3FBA] =	sst s10  }
0x32: {  	s10 =	sld [smem:$0x3FB8];
	_ =	sdelay $0x3  }
0x33: {  	p0 =	seq.s32 s10, $0x1;
	s10 =	sld [smem:$0x3FBA];
	_ =	sdelay $0x3  }
0x34: {  	[smem:$0x3FBA] =	sst s10  }
0x35: {  	s10 =	sld [smem:$0x3FB9];
	_ =	sdelay $0x3  }
0x36: {  	p1 =	seq.s32 s10, $0x1;
	s10 =	sld [smem:$0x3FBA];
	_ =	sdelay $0x3  }
0x37: {  	[smem:$0x3FBA] =	sst s10  }
0x38: {  	s10 =	sld [smem:$0x3FBB]  }
0x39: {  	_ = 	snop;
	(pc) =	sbr.ind lr, $3  }
0x3a: {  	_ = 	snop  }
0x3b: {  	_ = 	snop  }
0x3c: {  	p2 =	seq.s32 s10, $0x1;
	s10 =	sld [smem:$0x3FBA]  }
0x3d: {  	_ =	shalt  }
0x3e: {  	_ =	shalt  }
0x3f: {  	_ =	shalt  }
0x40: {  	_ =	shalt  }
0x41: {  	_ =	shalt  }
0x42: {  	_ =	shalt  }
0x43: {  	_ =	shalt  }
0x44: {  	_ =	shalt  }
0x45: {  	_ =	shalt  }
0x46: {  	_ =	shalt  }
0x47: {  	_ =	shalt  }
0x48: {  	_ =	shalt  }
0x49: {  	_ =	shalt  }
0x4a: {  	_ =	shalt  }
0x4b: {  	_ =	shalt  }
0x4c: {  	_ =	shalt  }
0x4d: {  	_ =	shalt  }
0x4e: {  	_ =	shalt  }
0x4f: {  	_ =	shalt  }
0x50: {  	_ =	shalt  }
0x51: {  	_ =	shalt  }
0x52: {  	_ =	shalt  }
0x53: {  	_ =	shalt  }
0x54: {  	_ =	shalt  }
0x55: {  	_ =	shalt  }
0x56: {  	_ =	shalt  }
0x57: {  	_ =	shalt  }
0x58: {  	_ =	shalt  }
0x59: {  	_ =	shalt  }
0x5a: {  	_ =	shalt  }
0x5b: {  	_ =	shalt  }
0x5c: {  	_ =	shalt  }
0x5d: {  	_ =	shalt  }
0x5e: {  	_ =	shalt  }
0x5f: {  	_ =	shalt  }
0x60: {  	_ =	shalt  }
0x61: {  	_ =	shalt  }
0x62: {  	_ =	shalt  }
0x63: {  	_ =	shalt  }
0x64: {  	_ =	shalt  }
0x65: {  	_ =	shalt  }
0x66: {  	_ =	shalt  }
0x67: {  	_ =	shalt  }
0x68: {  	_ =	shalt  }
0x69: {  	_ =	shalt  }
0x6a: {  	_ =	shalt  }
0x6b: {  	_ =	shalt  }
0x6c: {  	_ =	shalt  }
0x6d: {  	_ =	shalt  }
0x6e: {  	_ =	shalt  }
0x6f: {  	_ =	shalt  }
0x70: {  	_ =	shalt  }
0x71: {  	_ =	shalt  }
0x72: {  	_ =	shalt  }
0x73: {  	_ =	shalt  }
0x74: {  	_ =	shalt  }
0x75: {  	_ =	shalt  }
0x76: {  	_ =	shalt  }
0x77: {  	_ =	shalt  }
0x78: {  	_ =	shalt  }
0x79: {  	_ =	shalt  }
0x7a: {  	_ =	shalt  }
0x7b: {  	_ =	shalt  }
0x7c: {  	_ =	shalt  }
0x7d: {  	_ =	shalt  }
0x7e: {  	_ =	shalt  }
0x7f: {  	_ =	shalt  }
0x80: {  	_ =	shalt  }
0x81: {  	_ =	shalt  }
0x82: {  	_ =	shalt  }
0x83: {  	_ =	shalt  }
0x84: {  	_ =	shalt  }
0x85: {  	_ =	shalt  }
0x86: {  	_ =	shalt  }
0x87: {  	_ =	shalt  }
.Lfunc_end0:
.L_simem_size_0:
called_computation_lowered:
.L_overlay_start_0:
0x88: {  	s2 =	sld [smem:$0x3FD9]  }
0x89: {  	s3 =	sld [smem:$0x3FFE];
	_ =	sdelay $0x1  }
0x8a: {  	s1 =	srdreg.scid  }
0x8b: {  	s0 =	sand.u32 $0x1, s1  }
0x8c: {  	s14 =	sshll.u32 s0, $0xA;
	s2 =	sadd.s32 s3, s2  }
0x8d: {  	s2 =	sadd.s32 s2, s14  }
0x8e: {  	[smem:$0x3FC6] =	sst s2  }
0x8f: {  	_ = 	snop  }
0x90: {  	s2 =	sld [smem:$0x3FD0];
	_ =	sdelay $0x2  }
0x91: {  	s15 =	simm.s32 $0xA;
	s4 =	simm.s32 $0x10  }
0x92: {  	[smem:s4], [sflag:s15] =	dma.local [hbm:s2], $0x1  }
0x93: {  	_ =	swait.eq [sflag:s15], $0x1  }
0x94: {  	[sflag:s15] =	ssyncset.done $0x0  }
0x95: {  	[sflag:s15] =	ssyncadd.s32 $0xFFFFFFFF  }
0x96: {  	s16 =	sld [smem:$0x10];
	(tm) =	ssettm $0x1  }
0x97: {  	s17 =	sld [smem:$0x3FFB];
	_ =	sdelay $0x3  }
0x98: {  	_ =	strace s17  }
0x99: {  	s3 =	sld [smem:$0x3FFC];
	_ =	sdelay $0x3  }
0x9a: {  	_ =	strace s3  }
0x9b: {  	s3 =	sld [smem:$0x3FFD];
	_ =	sdelay $0x3  }
0x9c: {  	_ =	strace s3  }
0x9d: {  	_ =	strace $0x8FFFFFFF  }
0x9e: {  	s18 =	sld [smem:$0x3FDB];
	_ =	sdelay $0x1  }
0x9f: {  	s19 =	simm.s32 $_scs_section_size  }
0xa0: {  	s5 =	simm.s32 $_size__tile_overlayer_lowered;
	s6 =	simm.s32 $_tile_overlayer_lowered  }
0xa1: {  	s22 =	simm.s32 $0x1BFF;
	s21 =	sshll.u32 s6, $0x1;
	s3 =	sadd.s32 s19, s18  }
0xa2: {  	s7 =	simm.s32 $0x0;
	s20 =	sshll.u32 s5, $0x1;
	s5 =	sadd.s32 s21, s3  }
0xa3: {  	[timem:s7], [sflag:s22] =	dma.local [hbm:s5], s20  }
0xa4: {  	_ =	swait.ge [sflag:s22], s20  }
0xa5: {  	s4 =	ssub.s32 $0x0, s20;
	[sflag:s22] =	ssyncset.done $0x0  }
0xa6: {  	[sflag:s22] =	ssyncadd.s32 s4;
	_ =	sdelay $0x1  }
0xa7: {  	s23 =	simm.s32 $0x1B8B  }
0xa8: {  	_ =	swait.ge [sflag:s23], $0x1  }
0xa9: {  	[sflag:s23] =	ssyncset.done $0x0  }
0xaa: {  	s25 =	simm.s32 $0x1B8E;
	s24 =	sld [smem:$0x3FFE];
	[sflag:s23] =	ssyncadd.s32 $0xFFFFFFFF  }
0xab: {  	s26 =	simm.s32 $execute0_lowered;
	[smem:$0x3FD2] =	sst s25  }
0xac: {  	s5 =	sshll.u32 s26, $0x1;
	_ =	strace $0x80000046;
	[dreg:$0x1] =	wrdreg $0xFFFFFFFF  }
0xad: {  	s28 =	simm.s32 $_size_execute0_lowered;
	s3 =	sadd.s32 s3, s5;
	[dreg:$0x0] =	wrdreg $0x0  }
0xae: {  	s5 =	sshll.u32 s28, $0x1;
	[dreg:$0x2] =	wrdreg s3  }
0xaf: {  	[dreg:$0x3] =	wrdreg s5  }
0xb0: {  	[dreg:$0x4] =	wrdreg $0xC0  }
0xb1: {  	_ =	task [dreg:s7], $0x5FFFF  }
0xb2: {  	[dreg:$0x1] =	wrdreg $0xFFFFFFFF  }
0xb3: {  	[dreg:$0x0] =	wrdreg $0x60  }
0xb4: {  	[dreg:$0x2] =	wrdreg s24  }
0xb5: {  	[dreg:$0x3] =	wrdreg s16  }
0xb6: {  	[dreg:$0x4] =	wrdreg $0x9  }
0xb7: {  	_ =	task.clear_ibuf [dreg:s7], $0x5FFFF;
	_ =	strace $0x90000046  }
0xb8: {  	s29 =	simm.s32 $0x9;
	_ =	strace $0x80000048  }
0xb9: {  	_ =	swait.ge [sflag:s29], $0x1  }
0xba: {  	[sflag:s29] =	ssyncadd.s32 $0xFFFFFFFF  }
0xbb: {  	_ =	strace $0x90000048  }
0xbc: {  	_ =	sfence  }
0xbd: {  	s30 =	sld [smem:$0x0];
	_ =	sdelay $0x2  }
0xbe: {  	s31 =	sshll.u32 s1, $0xD;
	s1 =	sshrl.u32 s1, $0x2  }
0xbf: {  	s3 =	sand.u32 $0x4000, s31;
	s1 =	sadd.s32 s1, s30  }
0xc0: {  	s0 =	sor.u32 s3, s0;
	s1 =	sshll.u32 s1, $0x11  }
0xc1: {  	s0 =	sor.u32 s1, s0  }
0xc2: {  	s0 =	sadd.s32 $0x8F2B, s0  }
0xc3: {  	[sflag:s0] =	ssyncadd.remote.s32 $0x1  }
0xc4: {  	_ =	sfence.sel $0xFFFF  }
0xc5: {  	[dreg:$0x0] =	wrdreg $0xFFFFFFFF;
	(pc) =	sbr.abs _section_cstart, $3  }
0xc6: {  	[dreg:$0x1] =	wrdreg $0xFFFFFFFF  }
0xc7: {  	_ =	task.clear_ibuf [dreg:s7], $0x2FFFF;
	_ =	strace $0x9FFFFFFF  }
0xc8: {  	(tm) =	ssettm $0x7FFFFFFF  }
0xc9: {  	_ =	shalt  }
tec
execute0_lowered:
.L_overlay_start_1:
0x0: {  	(tag) =	ssettag $0x1  }
0x1: {  	s1 =	srdreg.scid;
	s2 =	rddreg [dreg:$0x0]  }
0x2: {  	s0 =	stileid.u32;
	s4 =	rddreg [dreg:$0x1];
	s6 =	sand.u32 $0x1, s1  }
0x3: {  	s3 =	simm.s32 $0x0;
	s5 =	sshll.u32 s0, $0x5;
	s7 =	sshll.u32 s6, $0x4  }
0x4: {  	[smem:$0x7FF] =	sst s3;
	s9 =	sor.u32 s7, s5  }
0x5: {  	s1 =	rddreg [dreg:$0x2];
	_ =	strace $0x80000047;
	s5 =	sshrl.u32 s9, $0x3  }
0x6: {  	s10 =	ssub.s32 $0x2, s6;
	s5 =	sadd.s32 s4, s5;
	s4 =	simm.s32 $0x2  }
0x7: {  	[tilespmem:s3], [sflag:$0x2] =	stream.linear.gather [hbm4b:s5+s3], $0x10, $0x38;
	[tilespmem:$0x880] =	vst v63  }
0x8: {  	s8 =	simm.s32 $0x1;
	s11 =	sshrl.u32 s10, $0x1;
	_ =	swait.ge [sflag:s4], $0x10  }
0x9: {  	s6 =	simm.s32 $0x10;
	s10 =	ssub.s32 s10, s11;
	[sflag:s4] =	ssyncset.done $0x0  }
0xa: {  	s7 =	simm.s32 $0x80;
	s10 =	smax.u32 s10, $0x1;
	[sflag:s4] =	ssyncadd.s32 $0xFFFFFFF0  }
0xb: {  	[tilespmem:s7], [sflag:$0x1] =	stream.indirect.gather [hbm4b:s2+s6], $0x80, s3, s6, $0xb8;
	[tilespmem:$0x880] =	vst v63  }
0xc: {  	s9 =	sshll.u32 s9, $0x4;
	p0 =	sne.s32 s10, $0x1;
	_ =	swait.ge [sflag:s8], $0x800  }
.Ltmp0:
0xd: {  	s9 =	sadd.s32 s9, s2;
	[sflag:s8] =	ssyncset.done $0x0;
	(pc) =	sbr.rel @!p0 .LBB2_2-.Ltmp0, $4  }
0xe: {  	s9 =	sadd.s32 $0x2000, s9;
	[sflag:s8] =	ssyncadd.s32 $0xFFFFF800  }
0xf: {  	[hbm4b:s9+s3] =	stream.linear.scatter [tilespmem:s7], [sflag:$0x2], $0x800, $0x38;
	[tilespmem:$0x880] =	vst v63  }
0x10: {  	_ =	swait.ge [sflag:s4], $0x800  }
0x11: {  	s10 =	sadd.s32 $0xFFFFFFFF, s10;
	[sflag:s4] =	ssyncset.done $0x0  }
.LBB2_1:
0x12: {  	p0 =	sne.s32 s10, $0x1;
	s10 =	sadd.s32 $0xFFFFFFFF, s10;
	[sflag:s4] =	ssyncadd.s32 $0xFFFFF800  }
0x13: {  	[tilespmem:s3], [sflag:$0x2] =	stream.linear.gather [hbm4b:s5+s3], $0x10, $0x38;
	[tilespmem:$0x880] =	vst v63  }
0x14: {  	_ =	swait.ge [sflag:s4], $0x10  }
0x15: {  	[sflag:s4] =	ssyncset.done $0x0  }
0x16: {  	[sflag:s4] =	ssyncadd.s32 $0xFFFFFFF0  }
0x17: {  	[tilespmem:s7], [sflag:$0x1] =	stream.indirect.gather [hbm4b:s2+s6], $0x80, s3, s6, $0xb8;
	[tilespmem:$0x880] =	vst v63  }
0x18: {  	_ =	swait.ge [sflag:s8], $0x800  }
.Ltmp1:
0x19: {  	[sflag:s8] =	ssyncset.done $0x0;
	(pc) =	sbr.rel @p0 .LBB2_1-.Ltmp1, $4  }
0x1a: {  	[sflag:s8] =	ssyncadd.s32 $0xFFFFF800  }
0x1b: {  	[hbm4b:s9+s3] =	stream.linear.scatter [tilespmem:s7], [sflag:$0x2], $0x800, $0x38;
	[tilespmem:$0x880] =	vst v63  }
0x1c: {  	_ =	swait.ge [sflag:s4], $0x800  }
0x1d: {  	[sflag:s4] =	ssyncset.done $0x0  }
.LBB2_2:
0x1e: {  	[sflag:s4] =	ssyncadd.s32 $0xFFFFF800  }
0x1f: {  	_ =	sfence.sel $0x180000  }
0x20: {  	[bflag:$0x0] =	sbarrier.arrive $0xFFFF  }
0x21: {  	p0 =	sne.s32 s0, $0x0;
	_ =	strace $0x90000047  }
0x22: {  	s0 =	sadd.s32 @!p0 $0x100000, s1;
	[bflag:$0x2] =	sbarrier.arrive $0xFFFF  }
0x23: {  	[sflag:s0] =	ssyncadd.tile.s32 @!p0 $0x1;
	_ =	shalt  }
.Lfunc_end2:
_tile_overlayer_lowered:
.L_overlay_start_2:
0x24: {  	(tag) =	ssettag $0x2  }
0x25: {  	s0 =	rddreg [dreg:$0x0];
	s2 =	stileid.u32  }
0x26: {  	s1 =	rddreg [dreg:$0x1];
	p0 =	sne.s32 s2, $0x0  }
0x27: {  	s3 =	rddreg [dreg:$0x2];
	[bflag:$0x3] =	sbarrier.arrive $0xFFFF;
	s2 =	simm.s32 @!p0 $0x1C02  }
0x28: {  	[timem:s3], [sflag:s2] =	dma.local @!p0 [hbm:s0], s1  }
0x29: {  	s0 =	simm.s32 @!p0 $0x2  }
0x2a: {  	_ =	swait.ge @!p0 [sflag:s0], s1  }
0x2b: {  	s1 =	ssub.s32 @!p0 $0x0, s1;
	[sflag:s0] =	ssyncset.done @!p0 $0x0  }
0x2c: {  	[sflag:s0] =	ssyncadd.s32 @!p0 s1  }
0x2d: {  	[bflag:$0x3] =	sbarrier.arrive $0xFFFF  }
0x2e: {  	_ =	shalt  }

// kernel: kernel.9.cloned.1.call-start
scs
__scs_entry_jumppad:
0x0: {  	(pc) =	sbr.rel $0x88, $3  }
0x1: {  	(tag) =	ssettag $0x0;
	lr =	simm.s32 $0x1  }
0x2: {  	[smem:$0x3F9F] =	sst lr;
	_ =	strace $0xD0000000  }
0x3: {  	_ = 	snop  }
0x4: {  	_ = 	snop  }
0x5: {  	_ = 	snop  }
0x6: {  	_ = 	snop  }
0x7: {  	_ = 	snop  }
__scs_overlays_trampoline_lowered:
0x8: {  	[smem:$0x3FAE] =	sst s0  }
0x9: {  	[smem:$0x3FAF] =	sst s1  }
0xa: {  	[smem:$0x3FB0] =	sst s2  }
0xb: {  	[smem:$0x3FB1] =	sst s3  }
0xc: {  	[smem:$0x3FB2] =	sst s4  }
0xd: {  	[smem:$0x3FB3] =	sst s5  }
0xe: {  	[smem:$0x3FB4] =	sst s6  }
0xf: {  	[smem:$0x3FB5] =	sst s7  }
0x10: {  	[smem:$0x3FB6] =	sst s8  }
0x11: {  	[smem:$0x3FB7] =	sst s9;
	s0 =	simm.s32 @!p0 $0x0  }
0x12: {  	s1 =	sld [smem:$0x3F9D];
	s0 =	simm.s32 @p0 $0x1  }
0x13: {  	[smem:$0x3FB8] =	sst s0;
	s0 =	simm.s32 @!p1 $0x0  }
0x14: {  	s2 =	sld [smem:$0x3F9C];
	s0 =	simm.s32 @p1 $0x1  }
0x15: {  	[smem:$0x3FB9] =	sst s0;
	s0 =	simm.s32 @!p2 $0x0  }
0x16: {  	s3 =	sld [smem:$0x3FDB];
	s0 =	simm.s32 @p2 $0x1  }
0x17: {  	s4 =	simm.s32 $0x1BF5;
	[smem:$0x3FBB] =	sst s0  }
0x18: {  	s0 =	sld [smem:$0x3F9E];
	_ =	swait.ge [sflag:s4], $0x0  }
0x19: {  	s7 =	sld [smem:$0x3F9F]  }
0x1a: {  	s8 =	sadd.s32 $0xFFFFE003, lr  }
0x1b: {  	s9 =	sadd.s32 $0xFFFFFEF7, lr;
	s5 =	simm.s32 $0xFFFFFFFF;
	p2 =	slt.u32 s8, $0xFFFFF086  }
0x1c: {  	p1 =	slt.u32 s9, $0xF7A;
	s5 =	simm.s32 @!p2 $0x0  }
0x1d: {  	s5 =	simm.s32 @p1 $0x1;
	p0 =	seq.s32 s7, s2  }
0x1e: {  	s7 =	smul.u32 @!p0 $0xF7A, s2;
	p2 =	seq.s32 @!p0 s5, $0x0  }
0x1f: {  	s9 =	smul.u32 $0xF7A, s1;
	s8 =	simm.s32 @!p0 $0x1BF5;
	p2 =	por !p2, p0  }
0x20: {  	[sflag:s8] =	ssyncset.s32 @!p0 $0xFFFFF086;
	s6 =	sadd.s32 @!p0 s3, s7;
	s7 =	simm.s32 @!p0 $0x108  }
0x21: {  	s3 =	sadd.s32 s3, s9;
	s6 =	sadd.s32 @!p0 $0x88, s6;
	s7 =	simm.s32 @p2 $0x1082  }
0x22: {  	[simem:s7], [sflag:s8] =	dma.local @!p0 [hbm:s6], $0xF7A  }
0x23: {  	s9 =	sor.u32 $0xD0000000, s2;
	s6 =	simm.s32 $0x108;
	_ =	swait.ge @!p0 [sflag:s8], $0x0  }
0x24: {  	s3 =	sadd.s32 $0x88, s3;
	s6 =	simm.s32 @!p1 $0x1082;
	[sflag:s4] =	ssyncset.s32 $0xFFFFF086  }
0x25: {  	[simem:s6], [sflag:s4] =	dma.local [hbm:s3], $0xF7A  }
0x26: {  	[smem:$0x3F9F] =	sst s1;
	(tag) =	ssettag s2;
	_ =	strace s9  }
0x27: {  	s1 =	sld [smem:$0x3FAF]  }
0x28: {  	s2 =	sld [smem:$0x3FB0]  }
0x29: {  	s4 =	sld [smem:$0x3FB2]  }
0x2a: {  	p0 =	seq.s32 s5, $0x0;
	s5 =	sld [smem:$0x3FB3]  }
0x2b: {  	s6 =	sld [smem:$0x3FB4]  }
0x2c: {  	s7 =	sld [smem:$0x3FB5]  }
0x2d: {  	s3 =	simm.s32 $0x108;
	s8 =	sld [smem:$0x3FB6]  }
0x2e: {  	s3 =	simm.s32 @!p0 $0x1082;
	s9 =	sld [smem:$0x3FB7]  }
0x2f: {  	lr =	sadd.s32 s0, s3;
	s0 =	sld [smem:$0x3FAE]  }
0x30: {  	s3 =	sld [smem:$0x3FB1]  }
0x31: {  	[smem:$0x3FBA] =	sst s10  }
0x32: {  	s10 =	sld [smem:$0x3FB8];
	_ =	sdelay $0x3  }
0x33: {  	p0 =	seq.s32 s10, $0x1;
	s10 =	sld [smem:$0x3FBA];
	_ =	sdelay $0x3  }
0x34: {  	[smem:$0x3FBA] =	sst s10  }
0x35: {  	s10 =	sld [smem:$0x3FB9];
	_ =	sdelay $0x3  }
0x36: {  	p1 =	seq.s32 s10, $0x1;
	s10 =	sld [smem:$0x3FBA];
	_ =	sdelay $0x3  }
0x37: {  	[smem:$0x3FBA] =	sst s10  }
0x38: {  	s10 =	sld [smem:$0x3FBB]  }
0x39: {  	_ = 	snop;
	(pc) =	sbr.ind lr, $3  }
0x3a: {  	_ = 	snop  }
0x3b: {  	_ = 	snop  }
0x3c: {  	p2 =	seq.s32 s10, $0x1;
	s10 =	sld [smem:$0x3FBA]  }
0x3d: {  	_ =	shalt  }
0x3e: {  	_ =	shalt  }
0x3f: {  	_ =	shalt  }
0x40: {  	_ =	shalt  }
0x41: {  	_ =	shalt  }
0x42: {  	_ =	shalt  }
0x43: {  	_ =	shalt  }
0x44: {  	_ =	shalt  }
0x45: {  	_ =	shalt  }
0x46: {  	_ =	shalt  }
0x47: {  	_ =	shalt  }
0x48: {  	_ =	shalt  }
0x49: {  	_ =	shalt  }
0x4a: {  	_ =	shalt  }
0x4b: {  	_ =	shalt  }
0x4c: {  	_ =	shalt  }
0x4d: {  	_ =	shalt  }
0x4e: {  	_ =	shalt  }
0x4f: {  	_ =	shalt  }
0x50: {  	_ =	shalt  }
0x51: {  	_ =	shalt  }
0x52: {  	_ =	shalt  }
0x53: {  	_ =	shalt  }
0x54: {  	_ =	shalt  }
0x55: {  	_ =	shalt  }
0x56: {  	_ =	shalt  }
0x57: {  	_ =	shalt  }
0x58: {  	_ =	shalt  }
0x59: {  	_ =	shalt  }
0x5a: {  	_ =	shalt  }
0x5b: {  	_ =	shalt  }
0x5c: {  	_ =	shalt  }
0x5d: {  	_ =	shalt  }
0x5e: {  	_ =	shalt  }
0x5f: {  	_ =	shalt  }
0x60: {  	_ =	shalt  }
0x61: {  	_ =	shalt  }
0x62: {  	_ =	shalt  }
0x63: {  	_ =	shalt  }
0x64: {  	_ =	shalt  }
0x65: {  	_ =	shalt  }
0x66: {  	_ =	shalt  }
0x67: {  	_ =	shalt  }
0x68: {  	_ =	shalt  }
0x69: {  	_ =	shalt  }
0x6a: {  	_ =	shalt  }
0x6b: {  	_ =	shalt  }
0x6c: {  	_ =	shalt  }
0x6d: {  	_ =	shalt  }
0x6e: {  	_ =	shalt  }
0x6f: {  	_ =	shalt  }
0x70: {  	_ =	shalt  }
0x71: {  	_ =	shalt  }
0x72: {  	_ =	shalt  }
0x73: {  	_ =	shalt  }
0x74: {  	_ =	shalt  }
0x75: {  	_ =	shalt  }
0x76: {  	_ =	shalt  }
0x77: {  	_ =	shalt  }
0x78: {  	_ =	shalt  }
0x79: {  	_ =	shalt  }
0x7a: {  	_ =	shalt  }
0x7b: {  	_ =	shalt  }
0x7c: {  	_ =	shalt  }
0x7d: {  	_ =	shalt  }
0x7e: {  	_ =	shalt  }
0x7f: {  	_ =	shalt  }
0x80: {  	_ =	shalt  }
0x81: {  	_ =	shalt  }
0x82: {  	_ =	shalt  }
0x83: {  	_ =	shalt  }
0x84: {  	_ =	shalt  }
0x85: {  	_ =	shalt  }
0x86: {  	_ =	shalt  }
0x87: {  	_ =	shalt  }
.Lfunc_end0:
.L_simem_size_0:
called_computation.1_lowered:
.L_overlay_start_0:
0x88: {  	s2 =	sld [smem:$0x3FD9]  }
0x89: {  	s3 =	sld [smem:$0x3FFE];
	_ =	sdelay $0x1  }
0x8a: {  	s1 =	srdreg.scid  }
0x8b: {  	s0 =	sand.u32 $0x1, s1  }
0x8c: {  	s14 =	sshll.u32 s0, $0xA;
	s2 =	sadd.s32 s3, s2  }
0x8d: {  	s2 =	sadd.s32 s2, s14  }
0x8e: {  	[smem:$0x3FC6] =	sst s2  }
0x8f: {  	_ = 	snop  }
0x90: {  	s2 =	sld [smem:$0x3FD0];
	_ =	sdelay $0x2  }
0x91: {  	s15 =	simm.s32 $0xA;
	s4 =	simm.s32 $0x10  }
0x92: {  	[smem:s4], [sflag:s15] =	dma.local [hbm:s2], $0x1  }
0x93: {  	_ =	swait.eq [sflag:s15], $0x1  }
0x94: {  	[sflag:s15] =	ssyncset.done $0x0  }
0x95: {  	[sflag:s15] =	ssyncadd.s32 $0xFFFFFFFF  }
0x96: {  	s16 =	sld [smem:$0x10];
	(tm) =	ssettm $0x1  }
0x97: {  	s17 =	sld [smem:$0x3FFB];
	_ =	sdelay $0x3  }
0x98: {  	_ =	strace s17  }
0x99: {  	s3 =	sld [smem:$0x3FFC];
	_ =	sdelay $0x3  }
0x9a: {  	_ =	strace s3  }
0x9b: {  	s3 =	sld [smem:$0x3FFD];
	_ =	sdelay $0x3  }
0x9c: {  	_ =	strace s3  }
0x9d: {  	_ =	strace $0x8FFFFFFF  }
0x9e: {  	s18 =	sld [smem:$0x3FDB];
	_ =	sdelay $0x1  }
0x9f: {  	s19 =	simm.s32 $_scs_section_size  }
0xa0: {  	s5 =	simm.s32 $_size__tile_overlayer_lowered;
	s6 =	simm.s32 $_tile_overlayer_lowered  }
0xa1: {  	s22 =	simm.s32 $0x1BFF;
	s21 =	sshll.u32 s6, $0x1;
	s3 =	sadd.s32 s19, s18  }
0xa2: {  	s7 =	simm.s32 $0x0;
	s20 =	sshll.u32 s5, $0x1;
	s5 =	sadd.s32 s21, s3  }
0xa3: {  	[timem:s7], [sflag:s22] =	dma.local [hbm:s5], s20  }
0xa4: {  	_ =	swait.ge [sflag:s22], s20  }
0xa5: {  	s4 =	ssub.s32 $0x0, s20;
	[sflag:s22] =	ssyncset.done $0x0  }
0xa6: {  	[sflag:s22] =	ssyncadd.s32 s4;
	_ =	sdelay $0x1  }
0xa7: {  	s23 =	simm.s32 $0x1B8B  }
0xa8: {  	_ =	swait.ge [sflag:s23], $0x1  }
0xa9: {  	[sflag:s23] =	ssyncset.done $0x0  }
0xaa: {  	s25 =	simm.s32 $0x1B8E;
	s24 =	sld [smem:$0x3FFE];
	[sflag:s23] =	ssyncadd.s32 $0xFFFFFFFF  }
0xab: {  	s26 =	simm.s32 $execute0_lowered;
	[smem:$0x3FD2] =	sst s25  }
0xac: {  	s5 =	sshll.u32 s26, $0x1;
	_ =	strace $0x80000049;
	[dreg:$0x1] =	wrdreg $0xFFFFFFFF  }
0xad: {  	s28 =	simm.s32 $_size_execute0_lowered;
	s3 =	sadd.s32 s3, s5;
	[dreg:$0x0] =	wrdreg $0x0  }
0xae: {  	s5 =	sshll.u32 s28, $0x1;
	[dreg:$0x2] =	wrdreg s3  }
0xaf: {  	[dreg:$0x3] =	wrdreg s5  }
0xb0: {  	[dreg:$0x4] =	wrdreg $0xC0  }
0xb1: {  	_ =	task [dreg:s7], $0x5FFFF  }
0xb2: {  	[dreg:$0x1] =	wrdreg $0xFFFFFFFF  }
0xb3: {  	[dreg:$0x0] =	wrdreg $0x60  }
0xb4: {  	[dreg:$0x2] =	wrdreg s24  }
0xb5: {  	[dreg:$0x3] =	wrdreg s16  }
0xb6: {  	[dreg:$0x4] =	wrdreg $0x9  }
0xb7: {  	_ =	task.clear_ibuf [dreg:s7], $0x5FFFF;
	_ =	strace $0x90000049  }
0xb8: {  	s29 =	simm.s32 $0x9;
	_ =	strace $0x8000004B  }
0xb9: {  	_ =	swait.ge [sflag:s29], $0x1  }
0xba: {  	[sflag:s29] =	ssyncadd.s32 $0xFFFFFFFF  }
0xbb: {  	_ =	strace $0x9000004B  }
0xbc: {  	_ =	sfence  }
0xbd: {  	s30 =	sld [smem:$0x0];
	_ =	sdelay $0x2  }
0xbe: {  	s31 =	sshll.u32 s1, $0xD;
	s1 =	sshrl.u32 s1, $0x2  }
0xbf: {  	s3 =	sand.u32 $0x4000, s31;
	s1 =	sadd.s32 s1, s30  }
0xc0: {  	s0 =	sor.u32 s3, s0;
	s1 =	sshll.u32 s1, $0x11  }
0xc1: {  	s0 =	sor.u32 s1, s0  }
0xc2: {  	s0 =	sadd.s32 $0x8F2B, s0  }
0xc3: {  	[sflag:s0] =	ssyncadd.remote.s32 $0x1  }
0xc4: {  	_ =	sfence.sel $0xFFFF  }
0xc5: {  	[dreg:$0x0] =	wrdreg $0xFFFFFFFF;
	(pc) =	sbr.abs _section_cstart, $3  }
0xc6: {  	[dreg:$0x1] =	wrdreg $0xFFFFFFFF  }
0xc7: {  	_ =	task.clear_ibuf [dreg:s7], $0x2FFFF;
	_ =	strace $0x9FFFFFFF  }
0xc8: {  	(tm) =	ssettm $0x7FFFFFFF  }
0xc9: {  	_ =	shalt  }
tec
execute0_lowered:
.L_overlay_start_1:
0x0: {  	(tag) =	ssettag $0x1  }
0x1: {  	s1 =	srdreg.scid;
	s7 =	rddreg [dreg:$0x0]  }
0x2: {  	s0 =	stileid.u32;
	s3 =	rddreg [dreg:$0x1];
	s5 =	sand.u32 $0x1, s1  }
0x3: {  	s2 =	simm.s32 $0x0;
	s4 =	sshll.u32 s0, $0x5;
	s6 =	sshll.u32 s5, $0x4  }
0x4: {  	[smem:$0x7FF] =	sst s2;
	s6 =	sor.u32 s6, s4  }
0x5: {  	s1 =	rddreg [dreg:$0x2];
	_ =	strace $0x8000004A;
	s4 =	sshrl.u32 s6, $0x3  }
0x6: {  	s8 =	ssub.s32 $0x2, s5;
	s3 =	sadd.s32 s3, s4;
	s4 =	simm.s32 $0x2  }
0x7: {  	[tilespmem:s2], [sflag:$0x2] =	stream.linear.gather [hbm4b:s3+s2], $0x10, $0x38;
	[tilespmem:$0x880] =	vst v63  }
0x8: {  	s9 =	sshrl.u32 s8, $0x1;
	s31 =	sshll.u32 s6, $0x4;
	_ =	swait.ge [sflag:s4], $0x10  }
0x9: {  	s6 =	simm.s32 $0x80;
	s8 =	ssub.s32 s8, s9;
	[sflag:s4] =	ssyncset.done $0x0  }
0xa: {  	s5 =	sadd.s32 s7, s31;
	s10 =	smax.u32 s8, $0x1;
	[sflag:s4] =	ssyncadd.s32 $0xFFFFFFF0  }
0xb: {  	[tilespmem:s6], [sflag:$0x2] =	stream.linear.gather [hbm4b:s5+s2], $0x800, $0x38;
	[tilespmem:$0x880] =	vst v63  }
0xc: {  	p0 =	sne.s32 s10, $0x1;
	_ =	swait.ge [sflag:s4], $0x800  }
.Ltmp0:
0xd: {  	s9 =	simm.s32 $0x10;
	[sflag:s4] =	ssyncset.done $0x0;
	(pc) =	sbr.rel @!p0 .LBB2_2-.Ltmp0, $4  }
0xe: {  	s7 =	sadd.s32 $0x2000, s7;
	s8 =	simm.s32 $0x1;
	[sflag:s4] =	ssyncadd.s32 $0xFFFFF800  }
0xf: {  	[hbm4b:s7+s9] =	stream.indirect.scatter [tilespmem:s6], [sflag:$0x1], $0x80, s2, s9, $0xb8;
	[tilespmem:$0x880] =	vst v63  }
0x10: {  	_ =	swait.ge [sflag:s8], $0x800  }
0x11: {  	s10 =	sadd.s32 $0xFFFFFFFF, s10;
	[sflag:s8] =	ssyncset.done $0x0  }
.LBB2_1:
0x12: {  	p0 =	sne.s32 s10, $0x1;
	s10 =	sadd.s32 $0xFFFFFFFF, s10;
	[sflag:s8] =	ssyncadd.s32 $0xFFFFF800  }
0x13: {  	[tilespmem:s2], [sflag:$0x2] =	stream.linear.gather [hbm4b:s3+s2], $0x10, $0x38;
	[tilespmem:$0x880] =	vst v63  }
0x14: {  	_ =	swait.ge [sflag:s4], $0x10  }
0x15: {  	[sflag:s4] =	ssyncset.done $0x0  }
0x16: {  	[sflag:s4] =	ssyncadd.s32 $0xFFFFFFF0  }
0x17: {  	[tilespmem:s6], [sflag:$0x2] =	stream.linear.gather [hbm4b:s5+s2], $0x800, $0x38;
	[tilespmem:$0x880] =	vst v63  }
0x18: {  	_ =	swait.ge [sflag:s4], $0x800  }
.Ltmp1:
0x19: {  	[sflag:s4] =	ssyncset.done $0x0;
	(pc) =	sbr.rel @p0 .LBB2_1-.Ltmp1, $4  }
0x1a: {  	[sflag:s4] =	ssyncadd.s32 $0xFFFFF800  }
0x1b: {  	[hbm4b:s7+s9] =	stream.indirect.scatter [tilespmem:s6], [sflag:$0x1], $0x80, s2, s9, $0xb8;
	[tilespmem:$0x880] =	vst v63  }
0x1c: {  	_ =	swait.ge [sflag:s8], $0x800  }
0x1d: {  	[sflag:s8] =	ssyncset.done $0x0  }
.LBB2_2:
0x1e: {  	[sflag:s8] =	ssyncadd.s32 $0xFFFFF800  }
0x1f: {  	_ =	sfence.sel $0x180000  }
0x20: {  	[bflag:$0x0] =	sbarrier.arrive $0xFFFF  }
0x21: {  	p0 =	sne.s32 s0, $0x0;
	_ =	strace $0x9000004A  }
0x22: {  	s0 =	sadd.s32 @!p0 $0x100000, s1;
	[bflag:$0x2] =	sbarrier.arrive $0xFFFF  }
0x23: {  	[sflag:s0] =	ssyncadd.tile.s32 @!p0 $0x1;
	_ =	shalt  }
.Lfunc_end2:
_tile_overlayer_lowered:
.L_overlay_start_2:
0x24: {  	(tag) =	ssettag $0x2  }
0x25: {  	s0 =	rddreg [dreg:$0x0];
	s2 =	stileid.u32  }
0x26: {  	s1 =	rddreg [dreg:$0x1];
	p0 =	sne.s32 s2, $0x0  }
0x27: {  	s3 =	rddreg [dreg:$0x2];
	[bflag:$0x3] =	sbarrier.arrive $0xFFFF;
	s2 =	simm.s32 @!p0 $0x1C02  }
0x28: {  	[timem:s3], [sflag:s2] =	dma.local @!p0 [hbm:s0], s1  }
0x29: {  	s0 =	simm.s32 @!p0 $0x2  }
0x2a: {  	_ =	swait.ge @!p0 [sflag:s0], s1  }
0x2b: {  	s1 =	ssub.s32 @!p0 $0x0, s1;
	[sflag:s0] =	ssyncset.done @!p0 $0x0  }
0x2c: {  	[sflag:s0] =	ssyncadd.s32 @!p0 s1  }
0x2d: {  	[bflag:$0x3] =	sbarrier.arrive $0xFFFF  }
0x2e: {  	_ =	shalt  }

</sc_bundles>
